<compile_context>
chip_gen: v7x
topology: tpu7x:2x2x1
jax: 0.10.2.dev20260603
libtpu: 0.0.44.dev20260713+nightly
codegen_flags: <defaults>
</compile_context>

<pallas_src>
import functools

import jax
import jax.numpy as jnp
from jax import lax
from jax.experimental import pallas as pl
from jax.experimental.pallas import tpu as pltpu
from jax.experimental.pallas import tpu_sc as plsc

_NC = 2
_NS = 16
_L = 16
_NW = _NC * _NS


def _lane_consts():
  lane = lax.broadcasted_iota(jnp.int32, (_L,), 0)
  zeros = jnp.full((_L,), 0, jnp.int32)
  ones = jnp.full((_L,), 1, jnp.int32)
  return lane, zeros, ones


def _take(x, idx):
  return x.at[idx].get(mode="promise_in_bounds")


def _lane_cumsum(x, lane, zeros, ones):
  for k in (1, 2, 4, 8):
    shifted = _take(x, jnp.maximum(lane - k, zeros))
    gate = jnp.minimum(jnp.maximum(lane - (k - 1), zeros), ones)
    x = x + shifted * gate
  return x


def _bcast_last(x):
  return _take(x, jnp.full((_L,), _L - 1, jnp.int32))


def _make_sc_embed(bsz, seq_len, vocab_rows, dim):
  B = bsz * seq_len
  rpw = B // _NW
  wpr = _NW // bsz
  chunk = 32
  nch = rpw // chunk
  nvec = rpw // _L

  mesh = plsc.VectorSubcoreMesh(core_axis_name="c", subcore_axis_name="s")

  @functools.partial(
      pl.kernel,
      mesh=mesh,
      out_type=jax.ShapeDtypeStruct((B, dim), jnp.float32),
      scratch_types=[
          pltpu.VMEM((seq_len,), jnp.int32),
          pltpu.VMEM((rpw,), jnp.int32),
          pltpu.VMEM((chunk, dim), jnp.float32),
          pltpu.VMEM((chunk, dim), jnp.float32),
          pltpu.VMEM((chunk, dim), jnp.float32),
          pltpu.SemaphoreType.DMA,
          pltpu.SemaphoreType.DMA,
          pltpu.SemaphoreType.DMA,
          pltpu.SemaphoreType.DMA,
          pltpu.SemaphoreType.DMA,
          pltpu.SemaphoreType.DMA,
      ],
  )
  def sc_embed(in_hbm, w_hbm, out_hbm, tok_v, idx_v, buf0, buf1, buf2,
               sg0, sg1, sg2, sw0, sw1, sw2):
    wid = lax.axis_index("s") * _NC + lax.axis_index("c")
    b = wid // wpr
    j = wid - b * wpr

    pltpu.sync_copy(in_hbm.at[pl.ds(b * seq_len, seq_len)], tok_v)

    lane, zeros, ones = _lane_consts()

    def pref_body(i, acc):
      t = tok_v[pl.ds(i * _L, _L)]
      return acc + jnp.minimum(t, ones)

    acc = lax.fori_loop(0, j * nvec, pref_body, zeros)
    prefix = _bcast_last(_lane_cumsum(acc, lane, zeros, ones))

    s0 = j * rpw

    def pos_body(i, carry):
      t = tok_v[pl.ds(s0 + i * _L, _L)]
      m = jnp.minimum(t, ones)
      c = _lane_cumsum(m, lane, zeros, ones) + carry
      pos = c * m
      idx_v[pl.ds(i * _L, _L)] = pos
      return _bcast_last(c)

    lax.fori_loop(0, nvec, pos_body, prefix)

    @pl.when(j == 0)
    def _():
      onehot0 = jnp.maximum(ones - lane, zeros)
      head = idx_v[pl.ds(0, _L)]
      idx_v[pl.ds(0, _L)] = head + (ones - head) * onehot0

    out_base = wid * rpw
    nbuf = 3
    bufs = (buf0, buf1, buf2)
    gsems = (sg0, sg1, sg2)
    wsems = (sw0, sw1, sw2)

    def start_gather(c):
      return pltpu.async_copy(
          w_hbm.at[idx_v.at[pl.ds(c * chunk, chunk)]], bufs[c % nbuf],
          gsems[c % nbuf])

    def start_write(c):
      return pltpu.async_copy(
          bufs[c % nbuf], out_hbm.at[pl.ds(out_base + c * chunk, chunk)],
          wsems[c % nbuf])

    gathers = [None] * nch
    writes = [None] * nch
    gathers[0] = start_gather(0)
    if nch > 1:
      gathers[1] = start_gather(1)
    for c in range(nch):
      if c + 2 < nch:
        if c >= 1:
          writes[c - 1].wait()
        gathers[c + 2] = start_gather(c + 2)
      gathers[c].wait()
      writes[c] = start_write(c)
    for c in range(max(0, nch - nbuf), nch):
      writes[c].wait()

  return sc_embed


def kernel(input, weights):
  bsz, seq_len = input.shape
  vocab_rows, dim = weights.shape
  flat_in = input.reshape(-1)
  sc_embed = _make_sc_embed(bsz, seq_len, vocab_rows, dim)
  out = sc_embed(flat_in, weights)
  return out.reshape(bsz, seq_len, dim)

# --- scband reference (transcript-rebuilt; emitter-appended) ---
"""Pipeline reference for scband-sinusoidal-positional-embedding-2783138808275 (READ-ONLY COPY).

The authoritative reference and input builder live on the scoring server;
editing this copy changes nothing except your own understanding.
"""

import jax, jax.numpy as jnp
import numpy as np
import math

EMBEDDING_DIM = 1024
PADDING_IDX = 0
INIT_SIZE = 8192
BSZ = 4
SEQ_LEN = 4096
VOCAB = 50000


def get_embedding(num_embeddings, embedding_dim, padding_idx=None):
    half_dim = embedding_dim // 2
    emb = math.log(10000) / (half_dim - 1)
    emb = jnp.exp(jnp.arange(half_dim, dtype=jnp.float32) * -emb)
    emb = jnp.arange(num_embeddings, dtype=jnp.float32)[:, None] * emb[None, :]
    emb = jnp.concatenate([jnp.sin(emb), jnp.cos(emb)], axis=1).reshape(num_embeddings, -1)
    if embedding_dim % 2 == 1:
        emb = jnp.concatenate([emb, jnp.zeros((num_embeddings, 1), dtype=jnp.float32)], axis=1)
    if padding_idx is not None:
        emb = emb.at[padding_idx, :].set(0.0)
    return emb


def make_positions(tensor, padding_idx, max_pos=0):
    # external_qkv=False and max_pos_train=0, so the `else` branch of the
    # original make_positions is taken: pos = cumsum(mask) + max_pos
    mask = (tensor != padding_idx).astype(jnp.int32)
    pos = jnp.cumsum(mask, axis=1) + max_pos
    pos = (pos * mask).astype(jnp.int32) + padding_idx
    pos = pos.at[:, 0].set(padding_idx + 1)
    return pos


def setup_inputs(seed: int = 0) -> dict:
    key = jax.random.key(seed)
    k1, _ = jax.random.split(key)
    inp = jax.random.randint(k1, (BSZ, SEQ_LEN), 0, VOCAB, dtype=jnp.int32)
    weights = get_embedding(INIT_SIZE, EMBEDDING_DIM, PADDING_IDX)
    return {"input": inp, "weights": weights}


def reference(input, weights):
    bsz, seq_len = input.shape
    positions = make_positions(input, PADDING_IDX, max_pos=0)
    flat = jnp.take(weights, positions.reshape(-1), axis=0)
    return flat.reshape(bsz, seq_len, -1)

if __name__ == "__main__":
    import jax
    _d = setup_inputs()
    print(jax.jit(kernel)(*tuple(_d.values())))

</pallas_src>

<mosaic_0001>
#map = affine_map<(d0, d1) -> (0)>
#map1 = affine_map<(d0, d1) -> (0, 0)>
module attributes {stable_mosaic.version = 14 : i64} {
  func.func @sc_embed(%arg0: i32, %arg1: i32, %arg2: memref<16384xi32, #tpu.memory_space<hbm>>, %arg3: memref<8192x1024xf32, #tpu.memory_space<hbm>>, %arg4: memref<16384x1024xf32, #tpu.memory_space<hbm>>, %arg5: memref<4096xi32, #tpu.memory_space<vmem>>, %arg6: memref<512xi32, #tpu.memory_space<vmem>>, %arg7: memref<32x1024xf32, #tpu.memory_space<vmem>>, %arg8: memref<32x1024xf32, #tpu.memory_space<vmem>>, %arg9: memref<32x1024xf32, #tpu.memory_space<vmem>>, %arg10: memref<!tpu.dma_semaphore, #tpu.memory_space<semaphore_mem>>, %arg11: memref<!tpu.dma_semaphore, #tpu.memory_space<semaphore_mem>>, %arg12: memref<!tpu.dma_semaphore, #tpu.memory_space<semaphore_mem>>, %arg13: memref<!tpu.dma_semaphore, #tpu.memory_space<semaphore_mem>>, %arg14: memref<!tpu.dma_semaphore, #tpu.memory_space<semaphore_mem>>, %arg15: memref<!tpu.dma_semaphore, #tpu.memory_space<semaphore_mem>>) attributes {dimension_semantics = [#tpu.dimension_semantics<core_parallel>, #tpu.dimension_semantics<subcore_parallel>], iteration_bounds = array<i64: 2, 16>, scalar_prefetch = 0 : i64, scratch_operands = 11 : i64, tpu.core_type = #tpu.core_type<sc_vector_subcore>, window_params = [{transform_indices = #map}, {transform_indices = #map1}, {transform_indices = #map1}]} {
    %mul3A = arith.constant 2 : i32
    %mul3A_0 = arith.muli %arg1, %mul3A : i32
    %add3A = arith.addi %mul3A_0, %arg0 : i32
    %jit3A = arith.constant 8 : i32
    %div3A = arith.divsi %add3A, %jit3A : i32
    %sign3A = arith.constant 0 : i32
    %sign3A_1 = arith.cmpi sgt, %add3A, %sign3A : i32
    %sign3A_2 = arith.extui %sign3A_1 : i1 to i32
    %sign3A_3 = arith.constant 0 : i32
    %sign3A_4 = arith.cmpi slt, %add3A, %sign3A_3 : i32
    %sign3A_5 = arith.extui %sign3A_4 : i1 to i32
    %sign3A_6 = arith.subi %sign3A_2, %sign3A_5 : i32
    %sign3A_7 = arith.constant 0 : i32
    %sign3A_8 = arith.cmpi sgt, %jit3A, %sign3A_7 : i32
    %sign3A_9 = arith.extui %sign3A_8 : i1 to i32
    %sign3A_10 = arith.constant 0 : i32
    %sign3A_11 = arith.cmpi slt, %jit3A, %sign3A_10 : i32
    %sign3A_12 = arith.extui %sign3A_11 : i1 to i32
    %sign3A_13 = arith.subi %sign3A_9, %sign3A_12 : i32
    %ne3A = arith.cmpi ne, %sign3A_6, %sign3A_13 : i32
    %rem3A = arith.remsi %add3A, %jit3A : i32
    %ne3A_14 = arith.constant 0 : i32
    %ne3A_15 = arith.cmpi ne, %rem3A, %ne3A_14 : i32
    %and3A = arith.andi %ne3A, %ne3A_15 : i1
    %sub3A = arith.constant 1 : i32
    %sub3A_16 = arith.subi %div3A, %sub3A : i32
    %select_n3A = arith.select %and3A, %sub3A_16, %div3A : i32
    %mul3A_17 = arith.constant 8 : i32
    %mul3A_18 = arith.muli %select_n3A, %mul3A_17 : i32
    %sub3A_19 = arith.subi %add3A, %mul3A_18 : i32
    %mul3A_20 = arith.constant 4096 : i32
    %mul3A_21 = arith.muli %select_n3A, %mul3A_20 : i32
    "tpu.region"() ({
      %run_scoped3A = tpu.sem_alloc : memref<!tpu.dma_semaphore, #tpu.memory_space<semaphore_mem>>
      %dma_start3A_458 = tpu.memref_slice %arg2[%mul3A_21] : memref<16384xi32, #tpu.memory_space<hbm>> -> memref<4096xi32, #tpu.memory_space<hbm>>
      %dma_start3A_459 = tpu.memref_slice %arg2[%mul3A_21] : memref<16384xi32, #tpu.memory_space<hbm>> -> memref<4096xi32, #tpu.memory_space<hbm>>
      tpu.enqueue_dma source(%dma_start3A_459 : memref<4096xi32, #tpu.memory_space<hbm>>) target(%arg5 : memref<4096xi32, #tpu.memory_space<vmem>>) target_semaphore(%run_scoped3A : memref<!tpu.dma_semaphore, #tpu.memory_space<semaphore_mem>>)
      %dma_wait3A_460 = tpu.memref_slice %arg2[%mul3A_21] : memref<16384xi32, #tpu.memory_space<hbm>> -> memref<4096xi32, #tpu.memory_space<hbm>>
      %dma_wait3A_461 = tpu.memref_slice %arg2[%mul3A_21] : memref<16384xi32, #tpu.memory_space<hbm>> -> memref<4096xi32, #tpu.memory_space<hbm>>
      tpu.wait_dma2 semaphore(%run_scoped3A : memref<!tpu.dma_semaphore, #tpu.memory_space<semaphore_mem>>) src(%dma_wait3A_461 : memref<4096xi32, #tpu.memory_space<hbm>>) dst(%arg5 : memref<4096xi32, #tpu.memory_space<vmem>>)
      tpu.yield
    }) : () -> ()
    %iota3A = tpu.iota {dimensions = array<i32: 0>} : vector<16xi32>
    %broadcast_in_dim3A = arith.constant 0 : i32
    %broadcast_in_dim3A_22 = vector.broadcast %broadcast_in_dim3A : i32 to vector<16xi32>
    %broadcast_in_dim3A_23 = arith.constant 1 : i32
    %broadcast_in_dim3A_24 = vector.broadcast %broadcast_in_dim3A_23 : i32 to vector<16xi32>
    %mul3A_25 = arith.constant 32 : i32
    %mul3A_26 = arith.muli %sub3A_19, %mul3A_25 : i32
    %while3A = arith.constant 0 : i32
    %while3A_27 = arith.subi %mul3A_26, %while3A : i32
    %while3A_28 = arith.addi %while3A, %while3A_27 : i32
    %while3A_29 = arith.constant 1 : i32
    %while3A_30 = arith.divsi %while3A_27, %while3A_29 : i32
    %while3A_31 = arith.muli %while3A_30, %while3A_29 : i32
    %while3A_32 = arith.addi %while3A, %while3A_31 : i32
    %while3A_33 = arith.constant 1 : i32
    %while3A_34 = scf.for %while3A_458 = %while3A to %while3A_32 step %while3A_33 iter_args(%while3A_459 = %broadcast_in_dim3A_22) -> (vector<16xi32>)  : i32 {
      %mul3A_460 = arith.constant 16 : i32
      %mul3A_461 = arith.muli %while3A_458, %mul3A_460 : i32
      %get3A = arith.index_cast %mul3A_461 : i32 to index
      %get3A_462 = tpu.vector_load %arg5[%get3A] {strides = array<i32>} : memref<4096xi32, #tpu.memory_space<vmem>>, vector<16xi32>,
      %get3A_463 = vector.shape_cast %get3A_462 : vector<16xi32> to vector<16xi32>
      %min3A_464 = arith.minsi %get3A_463, %broadcast_in_dim3A_24 : vector<16xi32>
      %add3A_465 = arith.addi %while3A_459, %min3A_464 : vector<16xi32>
      scf.yield %add3A_465 : vector<16xi32>
    }
    %while3A_35 = arith.constant 1 : i32
    %while3A_36 = scf.for %while3A_458 = %while3A_32 to %while3A_28 step %while3A_35 iter_args(%while3A_459 = %while3A_34) -> (vector<16xi32>)  : i32 {
      %mul3A_460 = arith.constant 16 : i32
      %mul3A_461 = arith.muli %while3A_458, %mul3A_460 : i32
      %get3A = arith.index_cast %mul3A_461 : i32 to index
      %get3A_462 = tpu.vector_load %arg5[%get3A] {strides = array<i32>} : memref<4096xi32, #tpu.memory_space<vmem>>, vector<16xi32>,
      %get3A_463 = vector.shape_cast %get3A_462 : vector<16xi32> to vector<16xi32>
      %min3A_464 = arith.minsi %get3A_463, %broadcast_in_dim3A_24 : vector<16xi32>
      %add3A_465 = arith.addi %while3A_459, %min3A_464 : vector<16xi32>
      scf.yield %add3A_465 : vector<16xi32>
    }
    %sub3A_37 = arith.constant 1 : i32
    %sub3A_38 = vector.broadcast %sub3A_37 : i32 to vector<16xi32>
    %sub3A_39 = arith.subi %iota3A, %sub3A_38 : vector<16xi32>
    %max3A = arith.maxsi %sub3A_39, %broadcast_in_dim3A_22 : vector<16xi32>
    %lt3A = arith.constant 0 : i32
    %lt3A_40 = vector.broadcast %lt3A : i32 to vector<16xi32>
    %lt3A_41 = arith.cmpi slt, %max3A, %lt3A_40 : vector<16xi32>
    %add3A_42 = arith.constant 16 : i32
    %add3A_43 = vector.broadcast %add3A_42 : i32 to vector<16xi32>
    %add3A_44 = arith.addi %max3A, %add3A_43 : vector<16xi32>
    %select_n3A_45 = arith.select %lt3A_41, %add3A_44, %max3A : vector<16xi1>, vector<16xi32>
    %broadcast_in_dim3A_46 = vector.shape_cast %select_n3A_45 : vector<16xi32> to vector<16x1xi32>
    %gather3A = vector.shape_cast %broadcast_in_dim3A_46 : vector<16x1xi32> to vector<16xi32>
    %gather3A_47 = tpu.dynamic_gather %while3A_36[%gather3A] in [0] : vector<16xi32>, vector<16xi32> -> vector<16xi32>
    %sub3A_48 = arith.constant 0 : i32
    %sub3A_49 = vector.broadcast %sub3A_48 : i32 to vector<16xi32>
    %sub3A_50 = arith.subi %iota3A, %sub3A_49 : vector<16xi32>
    %max3A_51 = arith.maxsi %sub3A_50, %broadcast_in_dim3A_22 : vector<16xi32>
    %min3A = arith.minsi %max3A_51, %broadcast_in_dim3A_24 : vector<16xi32>
    %mul3A_52 = arith.muli %gather3A_47, %min3A : vector<16xi32>
    %add3A_53 = arith.addi %while3A_36, %mul3A_52 : vector<16xi32>
    %sub3A_54 = arith.constant 2 : i32
    %sub3A_55 = vector.broadcast %sub3A_54 : i32 to vector<16xi32>
    %sub3A_56 = arith.subi %iota3A, %sub3A_55 : vector<16xi32>
    %max3A_57 = arith.maxsi %sub3A_56, %broadcast_in_dim3A_22 : vector<16xi32>
    %lt3A_58 = arith.constant 0 : i32
    %lt3A_59 = vector.broadcast %lt3A_58 : i32 to vector<16xi32>
    %lt3A_60 = arith.cmpi slt, %max3A_57, %lt3A_59 : vector<16xi32>
    %add3A_61 = arith.constant 16 : i32
    %add3A_62 = vector.broadcast %add3A_61 : i32 to vector<16xi32>
    %add3A_63 = arith.addi %max3A_57, %add3A_62 : vector<16xi32>
    %select_n3A_64 = arith.select %lt3A_60, %add3A_63, %max3A_57 : vector<16xi1>, vector<16xi32>
    %broadcast_in_dim3A_65 = vector.shape_cast %select_n3A_64 : vector<16xi32> to vector<16x1xi32>
    %gather3A_66 = vector.shape_cast %broadcast_in_dim3A_65 : vector<16x1xi32> to vector<16xi32>
    %gather3A_67 = tpu.dynamic_gather %add3A_53[%gather3A_66] in [0] : vector<16xi32>, vector<16xi32> -> vector<16xi32>
    %sub3A_68 = arith.constant 1 : i32
    %sub3A_69 = vector.broadcast %sub3A_68 : i32 to vector<16xi32>
    %sub3A_70 = arith.subi %iota3A, %sub3A_69 : vector<16xi32>
    %max3A_71 = arith.maxsi %sub3A_70, %broadcast_in_dim3A_22 : vector<16xi32>
    %min3A_72 = arith.minsi %max3A_71, %broadcast_in_dim3A_24 : vector<16xi32>
    %mul3A_73 = arith.muli %gather3A_67, %min3A_72 : vector<16xi32>
    %add3A_74 = arith.addi %add3A_53, %mul3A_73 : vector<16xi32>
    %sub3A_75 = arith.constant 4 : i32
    %sub3A_76 = vector.broadcast %sub3A_75 : i32 to vector<16xi32>
    %sub3A_77 = arith.subi %iota3A, %sub3A_76 : vector<16xi32>
    %max3A_78 = arith.maxsi %sub3A_77, %broadcast_in_dim3A_22 : vector<16xi32>
    %lt3A_79 = arith.constant 0 : i32
    %lt3A_80 = vector.broadcast %lt3A_79 : i32 to vector<16xi32>
    %lt3A_81 = arith.cmpi slt, %max3A_78, %lt3A_80 : vector<16xi32>
    %add3A_82 = arith.constant 16 : i32
    %add3A_83 = vector.broadcast %add3A_82 : i32 to vector<16xi32>
    %add3A_84 = arith.addi %max3A_78, %add3A_83 : vector<16xi32>
    %select_n3A_85 = arith.select %lt3A_81, %add3A_84, %max3A_78 : vector<16xi1>, vector<16xi32>
    %broadcast_in_dim3A_86 = vector.shape_cast %select_n3A_85 : vector<16xi32> to vector<16x1xi32>
    %gather3A_87 = vector.shape_cast %broadcast_in_dim3A_86 : vector<16x1xi32> to vector<16xi32>
    %gather3A_88 = tpu.dynamic_gather %add3A_74[%gather3A_87] in [0] : vector<16xi32>, vector<16xi32> -> vector<16xi32>
    %sub3A_89 = arith.constant 3 : i32
    %sub3A_90 = vector.broadcast %sub3A_89 : i32 to vector<16xi32>
    %sub3A_91 = arith.subi %iota3A, %sub3A_90 : vector<16xi32>
    %max3A_92 = arith.maxsi %sub3A_91, %broadcast_in_dim3A_22 : vector<16xi32>
    %min3A_93 = arith.minsi %max3A_92, %broadcast_in_dim3A_24 : vector<16xi32>
    %mul3A_94 = arith.muli %gather3A_88, %min3A_93 : vector<16xi32>
    %add3A_95 = arith.addi %add3A_74, %mul3A_94 : vector<16xi32>
    %sub3A_96 = arith.constant 8 : i32
    %sub3A_97 = vector.broadcast %sub3A_96 : i32 to vector<16xi32>
    %sub3A_98 = arith.subi %iota3A, %sub3A_97 : vector<16xi32>
    %max3A_99 = arith.maxsi %sub3A_98, %broadcast_in_dim3A_22 : vector<16xi32>
    %lt3A_100 = arith.constant 0 : i32
    %lt3A_101 = vector.broadcast %lt3A_100 : i32 to vector<16xi32>
    %lt3A_102 = arith.cmpi slt, %max3A_99, %lt3A_101 : vector<16xi32>
    %add3A_103 = arith.constant 16 : i32
    %add3A_104 = vector.broadcast %add3A_103 : i32 to vector<16xi32>
    %add3A_105 = arith.addi %max3A_99, %add3A_104 : vector<16xi32>
    %select_n3A_106 = arith.select %lt3A_102, %add3A_105, %max3A_99 : vector<16xi1>, vector<16xi32>
    %broadcast_in_dim3A_107 = vector.shape_cast %select_n3A_106 : vector<16xi32> to vector<16x1xi32>
    %gather3A_108 = vector.shape_cast %broadcast_in_dim3A_107 : vector<16x1xi32> to vector<16xi32>
    %gather3A_109 = tpu.dynamic_gather %add3A_95[%gather3A_108] in [0] : vector<16xi32>, vector<16xi32> -> vector<16xi32>
    %sub3A_110 = arith.constant 7 : i32
    %sub3A_111 = vector.broadcast %sub3A_110 : i32 to vector<16xi32>
    %sub3A_112 = arith.subi %iota3A, %sub3A_111 : vector<16xi32>
    %max3A_113 = arith.maxsi %sub3A_112, %broadcast_in_dim3A_22 : vector<16xi32>
    %min3A_114 = arith.minsi %max3A_113, %broadcast_in_dim3A_24 : vector<16xi32>
    %mul3A_115 = arith.muli %gather3A_109, %min3A_114 : vector<16xi32>
    %add3A_116 = arith.addi %add3A_95, %mul3A_115 : vector<16xi32>
    %broadcast_in_dim3A_117 = arith.constant 15 : i32
    %broadcast_in_dim3A_118 = vector.broadcast %broadcast_in_dim3A_117 : i32 to vector<16xi32>
    %lt3A_119 = arith.constant 0 : i32
    %lt3A_120 = vector.broadcast %lt3A_119 : i32 to vector<16xi32>
    %lt3A_121 = arith.cmpi slt, %broadcast_in_dim3A_118, %lt3A_120 : vector<16xi32>
    %add3A_122 = arith.constant 16 : i32
    %add3A_123 = vector.broadcast %add3A_122 : i32 to vector<16xi32>
    %add3A_124 = arith.addi %broadcast_in_dim3A_118, %add3A_123 : vector<16xi32>
    %select_n3A_125 = arith.select %lt3A_121, %add3A_124, %broadcast_in_dim3A_118 : vector<16xi1>, vector<16xi32>
    %broadcast_in_dim3A_126 = vector.shape_cast %select_n3A_125 : vector<16xi32> to vector<16x1xi32>
    %gather3A_127 = vector.shape_cast %broadcast_in_dim3A_126 : vector<16x1xi32> to vector<16xi32>
    %gather3A_128 = tpu.dynamic_gather %add3A_116[%gather3A_127] in [0] : vector<16xi32>, vector<16xi32> -> vector<16xi32>
    %mul3A_129 = arith.constant 512 : i32
    %mul3A_130 = arith.muli %sub3A_19, %mul3A_129 : i32
    %scan3A = arith.constant 0 : i32
    %scan3A_131 = arith.constant 32 : i32
    %scan3A_132 = arith.addi %scan3A, %scan3A_131 : i32
    %scan3A_133 = arith.constant 1 : i32
    %scan3A_134 = scf.for %scan3A_458 = %scan3A to %scan3A_132 step %scan3A_133 iter_args(%scan3A_459 = %gather3A_128) -> (vector<16xi32>)  : i32 {
      %mul3A_460 = arith.constant 16 : i32
      %mul3A_461 = arith.muli %scan3A_458, %mul3A_460 : i32
      %add3A_462 = arith.addi %mul3A_130, %mul3A_461 : i32
      %get3A = arith.index_cast %add3A_462 : i32 to index
      %get3A_463 = tpu.vector_load %arg5[%get3A] {strides = array<i32>} : memref<4096xi32, #tpu.memory_space<vmem>>, vector<16xi32>,
      %get3A_464 = vector.shape_cast %get3A_463 : vector<16xi32> to vector<16xi32>
      %min3A_465 = arith.minsi %get3A_464, %broadcast_in_dim3A_24 : vector<16xi32>
      %sub3A_466 = arith.constant 1 : i32
      %sub3A_467 = vector.broadcast %sub3A_466 : i32 to vector<16xi32>
      %sub3A_468 = arith.subi %iota3A, %sub3A_467 : vector<16xi32>
      %max3A_469 = arith.maxsi %sub3A_468, %broadcast_in_dim3A_22 : vector<16xi32>
      %lt3A_470 = arith.constant 0 : i32
      %lt3A_471 = vector.broadcast %lt3A_470 : i32 to vector<16xi32>
      %lt3A_472 = arith.cmpi slt, %max3A_469, %lt3A_471 : vector<16xi32>
      %add3A_473 = arith.constant 16 : i32
      %add3A_474 = vector.broadcast %add3A_473 : i32 to vector<16xi32>
      %add3A_475 = arith.addi %max3A_469, %add3A_474 : vector<16xi32>
      %select_n3A_476 = arith.select %lt3A_472, %add3A_475, %max3A_469 : vector<16xi1>, vector<16xi32>
      %broadcast_in_dim3A_477 = vector.shape_cast %select_n3A_476 : vector<16xi32> to vector<16x1xi32>
      %gather3A_478 = vector.shape_cast %broadcast_in_dim3A_477 : vector<16x1xi32> to vector<16xi32>
      %gather3A_479 = tpu.dynamic_gather %min3A_465[%gather3A_478] in [0] : vector<16xi32>, vector<16xi32> -> vector<16xi32>
      %sub3A_480 = arith.constant 0 : i32
      %sub3A_481 = vector.broadcast %sub3A_480 : i32 to vector<16xi32>
      %sub3A_482 = arith.subi %iota3A, %sub3A_481 : vector<16xi32>
      %max3A_483 = arith.maxsi %sub3A_482, %broadcast_in_dim3A_22 : vector<16xi32>
      %min3A_484 = arith.minsi %max3A_483, %broadcast_in_dim3A_24 : vector<16xi32>
      %mul3A_485 = arith.muli %gather3A_479, %min3A_484 : vector<16xi32>
      %add3A_486 = arith.addi %min3A_465, %mul3A_485 : vector<16xi32>
      %sub3A_487 = arith.constant 2 : i32
      %sub3A_488 = vector.broadcast %sub3A_487 : i32 to vector<16xi32>
      %sub3A_489 = arith.subi %iota3A, %sub3A_488 : vector<16xi32>
      %max3A_490 = arith.maxsi %sub3A_489, %broadcast_in_dim3A_22 : vector<16xi32>
      %lt3A_491 = arith.constant 0 : i32
      %lt3A_492 = vector.broadcast %lt3A_491 : i32 to vector<16xi32>
      %lt3A_493 = arith.cmpi slt, %max3A_490, %lt3A_492 : vector<16xi32>
      %add3A_494 = arith.constant 16 : i32
      %add3A_495 = vector.broadcast %add3A_494 : i32 to vector<16xi32>
      %add3A_496 = arith.addi %max3A_490, %add3A_495 : vector<16xi32>
      %select_n3A_497 = arith.select %lt3A_493, %add3A_496, %max3A_490 : vector<16xi1>, vector<16xi32>
      %broadcast_in_dim3A_498 = vector.shape_cast %select_n3A_497 : vector<16xi32> to vector<16x1xi32>
      %gather3A_499 = vector.shape_cast %broadcast_in_dim3A_498 : vector<16x1xi32> to vector<16xi32>
      %gather3A_500 = tpu.dynamic_gather %add3A_486[%gather3A_499] in [0] : vector<16xi32>, vector<16xi32> -> vector<16xi32>
      %sub3A_501 = arith.constant 1 : i32
      %sub3A_502 = vector.broadcast %sub3A_501 : i32 to vector<16xi32>
      %sub3A_503 = arith.subi %iota3A, %sub3A_502 : vector<16xi32>
      %max3A_504 = arith.maxsi %sub3A_503, %broadcast_in_dim3A_22 : vector<16xi32>
      %min3A_505 = arith.minsi %max3A_504, %broadcast_in_dim3A_24 : vector<16xi32>
      %mul3A_506 = arith.muli %gather3A_500, %min3A_505 : vector<16xi32>
      %add3A_507 = arith.addi %add3A_486, %mul3A_506 : vector<16xi32>
      %sub3A_508 = arith.constant 4 : i32
      %sub3A_509 = vector.broadcast %sub3A_508 : i32 to vector<16xi32>
      %sub3A_510 = arith.subi %iota3A, %sub3A_509 : vector<16xi32>
      %max3A_511 = arith.maxsi %sub3A_510, %broadcast_in_dim3A_22 : vector<16xi32>
      %lt3A_512 = arith.constant 0 : i32
      %lt3A_513 = vector.broadcast %lt3A_512 : i32 to vector<16xi32>
      %lt3A_514 = arith.cmpi slt, %max3A_511, %lt3A_513 : vector<16xi32>
      %add3A_515 = arith.constant 16 : i32
      %add3A_516 = vector.broadcast %add3A_515 : i32 to vector<16xi32>
      %add3A_517 = arith.addi %max3A_511, %add3A_516 : vector<16xi32>
      %select_n3A_518 = arith.select %lt3A_514, %add3A_517, %max3A_511 : vector<16xi1>, vector<16xi32>
      %broadcast_in_dim3A_519 = vector.shape_cast %select_n3A_518 : vector<16xi32> to vector<16x1xi32>
      %gather3A_520 = vector.shape_cast %broadcast_in_dim3A_519 : vector<16x1xi32> to vector<16xi32>
      %gather3A_521 = tpu.dynamic_gather %add3A_507[%gather3A_520] in [0] : vector<16xi32>, vector<16xi32> -> vector<16xi32>
      %sub3A_522 = arith.constant 3 : i32
      %sub3A_523 = vector.broadcast %sub3A_522 : i32 to vector<16xi32>
      %sub3A_524 = arith.subi %iota3A, %sub3A_523 : vector<16xi32>
      %max3A_525 = arith.maxsi %sub3A_524, %broadcast_in_dim3A_22 : vector<16xi32>
      %min3A_526 = arith.minsi %max3A_525, %broadcast_in_dim3A_24 : vector<16xi32>
      %mul3A_527 = arith.muli %gather3A_521, %min3A_526 : vector<16xi32>
      %add3A_528 = arith.addi %add3A_507, %mul3A_527 : vector<16xi32>
      %sub3A_529 = arith.constant 8 : i32
      %sub3A_530 = vector.broadcast %sub3A_529 : i32 to vector<16xi32>
      %sub3A_531 = arith.subi %iota3A, %sub3A_530 : vector<16xi32>
      %max3A_532 = arith.maxsi %sub3A_531, %broadcast_in_dim3A_22 : vector<16xi32>
      %lt3A_533 = arith.constant 0 : i32
      %lt3A_534 = vector.broadcast %lt3A_533 : i32 to vector<16xi32>
      %lt3A_535 = arith.cmpi slt, %max3A_532, %lt3A_534 : vector<16xi32>
      %add3A_536 = arith.constant 16 : i32
      %add3A_537 = vector.broadcast %add3A_536 : i32 to vector<16xi32>
      %add3A_538 = arith.addi %max3A_532, %add3A_537 : vector<16xi32>
      %select_n3A_539 = arith.select %lt3A_535, %add3A_538, %max3A_532 : vector<16xi1>, vector<16xi32>
      %broadcast_in_dim3A_540 = vector.shape_cast %select_n3A_539 : vector<16xi32> to vector<16x1xi32>
      %gather3A_541 = vector.shape_cast %broadcast_in_dim3A_540 : vector<16x1xi32> to vector<16xi32>
      %gather3A_542 = tpu.dynamic_gather %add3A_528[%gather3A_541] in [0] : vector<16xi32>, vector<16xi32> -> vector<16xi32>
      %sub3A_543 = arith.constant 7 : i32
      %sub3A_544 = vector.broadcast %sub3A_543 : i32 to vector<16xi32>
      %sub3A_545 = arith.subi %iota3A, %sub3A_544 : vector<16xi32>
      %max3A_546 = arith.maxsi %sub3A_545, %broadcast_in_dim3A_22 : vector<16xi32>
      %min3A_547 = arith.minsi %max3A_546, %broadcast_in_dim3A_24 : vector<16xi32>
      %mul3A_548 = arith.muli %gather3A_542, %min3A_547 : vector<16xi32>
      %add3A_549 = arith.addi %add3A_528, %mul3A_548 : vector<16xi32>
      %add3A_550 = arith.addi %add3A_549, %scan3A_459 : vector<16xi32>
      %mul3A_551 = arith.muli %add3A_550, %min3A_465 : vector<16xi32>
      %mul3A_552 = arith.constant 16 : i32
      %mul3A_553 = arith.muli %scan3A_458, %mul3A_552 : i32
      %swap3A = arith.index_cast %mul3A_553 : i32 to index
      %swap3A_554 = tpu.vector_load %arg6[%swap3A] {strides = array<i32>} : memref<512xi32, #tpu.memory_space<vmem>>, vector<16xi32>,
      %swap3A_555 = vector.shape_cast %swap3A_554 : vector<16xi32> to vector<16xi32>
      %swap3A_556 = vector.shape_cast %mul3A_551 : vector<16xi32> to vector<16xi32>
      tpu.vector_store %arg6[%swap3A], %swap3A_556 {strides = array<i32>} : memref<512xi32, #tpu.memory_space<vmem>>, vector<16xi32>,
      %broadcast_in_dim3A_557 = arith.constant 15 : i32
      %broadcast_in_dim3A_558 = vector.broadcast %broadcast_in_dim3A_557 : i32 to vector<16xi32>
      %lt3A_559 = arith.constant 0 : i32
      %lt3A_560 = vector.broadcast %lt3A_559 : i32 to vector<16xi32>
      %lt3A_561 = arith.cmpi slt, %broadcast_in_dim3A_558, %lt3A_560 : vector<16xi32>
      %add3A_562 = arith.constant 16 : i32
      %add3A_563 = vector.broadcast %add3A_562 : i32 to vector<16xi32>
      %add3A_564 = arith.addi %broadcast_in_dim3A_558, %add3A_563 : vector<16xi32>
      %select_n3A_565 = arith.select %lt3A_561, %add3A_564, %broadcast_in_dim3A_558 : vector<16xi1>, vector<16xi32>
      %broadcast_in_dim3A_566 = vector.shape_cast %select_n3A_565 : vector<16xi32> to vector<16x1xi32>
      %gather3A_567 = vector.shape_cast %broadcast_in_dim3A_566 : vector<16x1xi32> to vector<16xi32>
      %gather3A_568 = tpu.dynamic_gather %add3A_550[%gather3A_567] in [0] : vector<16xi32>, vector<16xi32> -> vector<16xi32>
      scf.yield %gather3A_568 : vector<16xi32>
    }
    %scan3A_135 = arith.constant 32 : i32
    %eq3A = arith.constant 0 : i32
    %eq3A_136 = arith.cmpi eq, %sub3A_19, %eq3A : i32
    %convert_element_type3A = arith.extui %eq3A_136 : i1 to i32
    %cond3A = arith.constant 0 : i32
    %cond3A_137 = arith.cmpi ne, %convert_element_type3A, %cond3A : i32
    scf.if %cond3A_137 {
      %sub3A_458 = arith.subi %broadcast_in_dim3A_24, %iota3A : vector<16xi32>
      %max3A_459 = arith.maxsi %sub3A_458, %broadcast_in_dim3A_22 : vector<16xi32>
      %get3A = arith.constant 0 : index
      %get3A_460 = tpu.vector_load %arg6[%get3A] {strides = array<i32>} : memref<512xi32, #tpu.memory_space<vmem>>, vector<16xi32>,
      %get3A_461 = vector.shape_cast %get3A_460 : vector<16xi32> to vector<16xi32>
      %sub3A_462 = arith.subi %broadcast_in_dim3A_24, %get3A_461 : vector<16xi32>
      %mul3A_463 = arith.muli %sub3A_462, %max3A_459 : vector<16xi32>
      %add3A_464 = arith.addi %get3A_461, %mul3A_463 : vector<16xi32>
      %swap3A = arith.constant 0 : index
      %swap3A_465 = tpu.vector_load %arg6[%swap3A] {strides = array<i32>} : memref<512xi32, #tpu.memory_space<vmem>>, vector<16xi32>,
      %swap3A_466 = vector.shape_cast %swap3A_465 : vector<16xi32> to vector<16xi32>
      %swap3A_467 = vector.shape_cast %add3A_464 : vector<16xi32> to vector<16xi32>
      tpu.vector_store %arg6[%swap3A], %swap3A_467 {strides = array<i32>} : memref<512xi32, #tpu.memory_space<vmem>>, vector<16xi32>,
    } else {
    }
    %mul3A_138 = arith.constant 512 : i32
    %mul3A_139 = arith.muli %add3A, %mul3A_138 : i32
    %dma_start3A = arith.constant 0 : i32
    %dma_start3A_140 = tpu.memref_slice %arg6[%dma_start3A] : memref<512xi32, #tpu.memory_space<vmem>> -> memref<32xi32, #tpu.memory_space<vmem>>
    %dma_start3A_141 = arith.constant 0 : i32
    %dma_start3A_142 = arith.constant 0 : i32
    %dma_start3A_143 = tpu.memref_slice %arg3[%dma_start3A_141, %dma_start3A_142] : memref<8192x1024xf32, #tpu.memory_space<hbm>> -> memref<8192x1024xf32, #tpu.memory_space<hbm>>
    tpu.enqueue_indirect_dma source(%dma_start3A_143 : memref<8192x1024xf32, #tpu.memory_space<hbm>>) target(%arg7 : memref<32x1024xf32, #tpu.memory_space<vmem>>) offsets(%dma_start3A_140 : memref<32xi32, #tpu.memory_space<vmem>>) semaphore(%arg10 : memref<!tpu.dma_semaphore, #tpu.memory_space<semaphore_mem>>)
    %dma_start3A_144 = arith.constant 32 : i32
    %dma_start3A_145 = tpu.memref_slice %arg6[%dma_start3A_144] : memref<512xi32, #tpu.memory_space<vmem>> -> memref<32xi32, #tpu.memory_space<vmem>>
    %dma_start3A_146 = arith.constant 0 : i32
    %dma_start3A_147 = arith.constant 0 : i32
    %dma_start3A_148 = tpu.memref_slice %arg3[%dma_start3A_146, %dma_start3A_147] : memref<8192x1024xf32, #tpu.memory_space<hbm>> -> memref<8192x1024xf32, #tpu.memory_space<hbm>>
    tpu.enqueue_indirect_dma source(%dma_start3A_148 : memref<8192x1024xf32, #tpu.memory_space<hbm>>) target(%arg8 : memref<32x1024xf32, #tpu.memory_space<vmem>>) offsets(%dma_start3A_145 : memref<32xi32, #tpu.memory_space<vmem>>) semaphore(%arg11 : memref<!tpu.dma_semaphore, #tpu.memory_space<semaphore_mem>>)
    %dma_start3A_149 = arith.constant 64 : i32
    %dma_start3A_150 = tpu.memref_slice %arg6[%dma_start3A_149] : memref<512xi32, #tpu.memory_space<vmem>> -> memref<32xi32, #tpu.memory_space<vmem>>
    %dma_start3A_151 = arith.constant 0 : i32
    %dma_start3A_152 = arith.constant 0 : i32
    %dma_start3A_153 = tpu.memref_slice %arg3[%dma_start3A_151, %dma_start3A_152] : memref<8192x1024xf32, #tpu.memory_space<hbm>> -> memref<8192x1024xf32, #tpu.memory_space<hbm>>
    tpu.enqueue_indirect_dma source(%dma_start3A_153 : memref<8192x1024xf32, #tpu.memory_space<hbm>>) target(%arg9 : memref<32x1024xf32, #tpu.memory_space<vmem>>) offsets(%dma_start3A_150 : memref<32xi32, #tpu.memory_space<vmem>>) semaphore(%arg12 : memref<!tpu.dma_semaphore, #tpu.memory_space<semaphore_mem>>)
    %dma_wait3A = arith.constant 0 : i32
    %dma_wait3A_154 = tpu.memref_slice %arg6[%dma_wait3A] : memref<512xi32, #tpu.memory_space<vmem>> -> memref<32xi32, #tpu.memory_space<vmem>>
    %dma_wait3A_155 = arith.constant 0 : i32
    %dma_wait3A_156 = arith.constant 0 : i32
    %dma_wait3A_157 = tpu.memref_slice %arg3[%dma_wait3A_155, %dma_wait3A_156] : memref<8192x1024xf32, #tpu.memory_space<hbm>> -> memref<8192x1024xf32, #tpu.memory_space<hbm>>
    tpu.wait_indirect_dma semaphore(%arg10 : memref<!tpu.dma_semaphore, #tpu.memory_space<semaphore_mem>>) src(%dma_wait3A_157 : memref<8192x1024xf32, #tpu.memory_space<hbm>>) dst(%arg7 : memref<32x1024xf32, #tpu.memory_space<vmem>>)
    %add3A_158 = arith.constant 0 : i32
    %add3A_159 = arith.addi %mul3A_139, %add3A_158 : i32
    %dma_start3A_160 = arith.constant 0 : i32
    %dma_start3A_161 = tpu.memref_slice %arg4[%add3A_159, %dma_start3A_160] : memref<16384x1024xf32, #tpu.memory_space<hbm>> -> memref<32x1024xf32, #tpu.memory_space<hbm>>
    %dma_start3A_162 = arith.constant 0 : i32
    %dma_start3A_163 = tpu.memref_slice %arg4[%add3A_159, %dma_start3A_162] : memref<16384x1024xf32, #tpu.memory_space<hbm>> -> memref<32x1024xf32, #tpu.memory_space<hbm>>
    tpu.enqueue_dma source(%arg7 : memref<32x1024xf32, #tpu.memory_space<vmem>>) target(%dma_start3A_163 : memref<32x1024xf32, #tpu.memory_space<hbm>>) target_semaphore(%arg13 : memref<!tpu.dma_semaphore, #tpu.memory_space<semaphore_mem>>)
    %dma_wait3A_164 = arith.constant 0 : i32
    %dma_wait3A_165 = tpu.memref_slice %arg4[%add3A_159, %dma_wait3A_164] : memref<16384x1024xf32, #tpu.memory_space<hbm>> -> memref<32x1024xf32, #tpu.memory_space<hbm>>
    %dma_wait3A_166 = arith.constant 0 : i32
    %dma_wait3A_167 = tpu.memref_slice %arg4[%add3A_159, %dma_wait3A_166] : memref<16384x1024xf32, #tpu.memory_space<hbm>> -> memref<32x1024xf32, #tpu.memory_space<hbm>>
    tpu.wait_dma2 semaphore(%arg13 : memref<!tpu.dma_semaphore, #tpu.memory_space<semaphore_mem>>) src(%arg7 : memref<32x1024xf32, #tpu.memory_space<vmem>>) dst(%dma_wait3A_167 : memref<32x1024xf32, #tpu.memory_space<hbm>>)
    %dma_start3A_168 = arith.constant 96 : i32
    %dma_start3A_169 = tpu.memref_slice %arg6[%dma_start3A_168] : memref<512xi32, #tpu.memory_space<vmem>> -> memref<32xi32, #tpu.memory_space<vmem>>
    %dma_start3A_170 = arith.constant 0 : i32
    %dma_start3A_171 = arith.constant 0 : i32
    %dma_start3A_172 = tpu.memref_slice %arg3[%dma_start3A_170, %dma_start3A_171] : memref<8192x1024xf32, #tpu.memory_space<hbm>> -> memref<8192x1024xf32, #tpu.memory_space<hbm>>
    tpu.enqueue_indirect_dma source(%dma_start3A_172 : memref<8192x1024xf32, #tpu.memory_space<hbm>>) target(%arg7 : memref<32x1024xf32, #tpu.memory_space<vmem>>) offsets(%dma_start3A_169 : memref<32xi32, #tpu.memory_space<vmem>>) semaphore(%arg10 : memref<!tpu.dma_semaphore, #tpu.memory_space<semaphore_mem>>)
    %dma_wait3A_173 = arith.constant 32 : i32
    %dma_wait3A_174 = tpu.memref_slice %arg6[%dma_wait3A_173] : memref<512xi32, #tpu.memory_space<vmem>> -> memref<32xi32, #tpu.memory_space<vmem>>
    %dma_wait3A_175 = arith.constant 0 : i32
    %dma_wait3A_176 = arith.constant 0 : i32
    %dma_wait3A_177 = tpu.memref_slice %arg3[%dma_wait3A_175, %dma_wait3A_176] : memref<8192x1024xf32, #tpu.memory_space<hbm>> -> memref<8192x1024xf32, #tpu.memory_space<hbm>>
    tpu.wait_indirect_dma semaphore(%arg11 : memref<!tpu.dma_semaphore, #tpu.memory_space<semaphore_mem>>) src(%dma_wait3A_177 : memref<8192x1024xf32, #tpu.memory_space<hbm>>) dst(%arg8 : memref<32x1024xf32, #tpu.memory_space<vmem>>)
    %add3A_178 = arith.constant 32 : i32
    %add3A_179 = arith.addi %mul3A_139, %add3A_178 : i32
    %dma_start3A_180 = arith.constant 0 : i32
    %dma_start3A_181 = tpu.memref_slice %arg4[%add3A_179, %dma_start3A_180] : memref<16384x1024xf32, #tpu.memory_space<hbm>> -> memref<32x1024xf32, #tpu.memory_space<hbm>>
    %dma_start3A_182 = arith.constant 0 : i32
    %dma_start3A_183 = tpu.memref_slice %arg4[%add3A_179, %dma_start3A_182] : memref<16384x1024xf32, #tpu.memory_space<hbm>> -> memref<32x1024xf32, #tpu.memory_space<hbm>>
    tpu.enqueue_dma source(%arg8 : memref<32x1024xf32, #tpu.memory_space<vmem>>) target(%dma_start3A_183 : memref<32x1024xf32, #tpu.memory_space<hbm>>) target_semaphore(%arg14 : memref<!tpu.dma_semaphore, #tpu.memory_space<semaphore_mem>>)
    %dma_wait3A_184 = arith.constant 0 : i32
    %dma_wait3A_185 = tpu.memref_slice %arg4[%add3A_179, %dma_wait3A_184] : memref<16384x1024xf32, #tpu.memory_space<hbm>> -> memref<32x1024xf32, #tpu.memory_space<hbm>>
    %dma_wait3A_186 = arith.constant 0 : i32
    %dma_wait3A_187 = tpu.memref_slice %arg4[%add3A_179, %dma_wait3A_186] : memref<16384x1024xf32, #tpu.memory_space<hbm>> -> memref<32x1024xf32, #tpu.memory_space<hbm>>
    tpu.wait_dma2 semaphore(%arg14 : memref<!tpu.dma_semaphore, #tpu.memory_space<semaphore_mem>>) src(%arg8 : memref<32x1024xf32, #tpu.memory_space<vmem>>) dst(%dma_wait3A_187 : memref<32x1024xf32, #tpu.memory_space<hbm>>)
    %dma_start3A_188 = arith.constant 128 : i32
    %dma_start3A_189 = tpu.memref_slice %arg6[%dma_start3A_188] : memref<512xi32, #tpu.memory_space<vmem>> -> memref<32xi32, #tpu.memory_space<vmem>>
    %dma_start3A_190 = arith.constant 0 : i32
    %dma_start3A_191 = arith.constant 0 : i32
    %dma_start3A_192 = tpu.memref_slice %arg3[%dma_start3A_190, %dma_start3A_191] : memref<8192x1024xf32, #tpu.memory_space<hbm>> -> memref<8192x1024xf32, #tpu.memory_space<hbm>>
    tpu.enqueue_indirect_dma source(%dma_start3A_192 : memref<8192x1024xf32, #tpu.memory_space<hbm>>) target(%arg8 : memref<32x1024xf32, #tpu.memory_space<vmem>>) offsets(%dma_start3A_189 : memref<32xi32, #tpu.memory_space<vmem>>) semaphore(%arg11 : memref<!tpu.dma_semaphore, #tpu.memory_space<semaphore_mem>>)
    %dma_wait3A_193 = arith.constant 64 : i32
    %dma_wait3A_194 = tpu.memref_slice %arg6[%dma_wait3A_193] : memref<512xi32, #tpu.memory_space<vmem>> -> memref<32xi32, #tpu.memory_space<vmem>>
    %dma_wait3A_195 = arith.constant 0 : i32
    %dma_wait3A_196 = arith.constant 0 : i32
    %dma_wait3A_197 = tpu.memref_slice %arg3[%dma_wait3A_195, %dma_wait3A_196] : memref<8192x1024xf32, #tpu.memory_space<hbm>> -> memref<8192x1024xf32, #tpu.memory_space<hbm>>
    tpu.wait_indirect_dma semaphore(%arg12 : memref<!tpu.dma_semaphore, #tpu.memory_space<semaphore_mem>>) src(%dma_wait3A_197 : memref<8192x1024xf32, #tpu.memory_space<hbm>>) dst(%arg9 : memref<32x1024xf32, #tpu.memory_space<vmem>>)
    %add3A_198 = arith.constant 64 : i32
    %add3A_199 = arith.addi %mul3A_139, %add3A_198 : i32
    %dma_start3A_200 = arith.constant 0 : i32
    %dma_start3A_201 = tpu.memref_slice %arg4[%add3A_199, %dma_start3A_200] : memref<16384x1024xf32, #tpu.memory_space<hbm>> -> memref<32x1024xf32, #tpu.memory_space<hbm>>
    %dma_start3A_202 = arith.constant 0 : i32
    %dma_start3A_203 = tpu.memref_slice %arg4[%add3A_199, %dma_start3A_202] : memref<16384x1024xf32, #tpu.memory_space<hbm>> -> memref<32x1024xf32, #tpu.memory_space<hbm>>
    tpu.enqueue_dma source(%arg9 : memref<32x1024xf32, #tpu.memory_space<vmem>>) target(%dma_start3A_203 : memref<32x1024xf32, #tpu.memory_space<hbm>>) target_semaphore(%arg15 : memref<!tpu.dma_semaphore, #tpu.memory_space<semaphore_mem>>)
    %dma_wait3A_204 = arith.constant 0 : i32
    %dma_wait3A_205 = tpu.memref_slice %arg4[%add3A_199, %dma_wait3A_204] : memref<16384x1024xf32, #tpu.memory_space<hbm>> -> memref<32x1024xf32, #tpu.memory_space<hbm>>
    %dma_wait3A_206 = arith.constant 0 : i32
    %dma_wait3A_207 = tpu.memref_slice %arg4[%add3A_199, %dma_wait3A_206] : memref<16384x1024xf32, #tpu.memory_space<hbm>> -> memref<32x1024xf32, #tpu.memory_space<hbm>>
    tpu.wait_dma2 semaphore(%arg15 : memref<!tpu.dma_semaphore, #tpu.memory_space<semaphore_mem>>) src(%arg9 : memref<32x1024xf32, #tpu.memory_space<vmem>>) dst(%dma_wait3A_207 : memref<32x1024xf32, #tpu.memory_space<hbm>>)
    %dma_start3A_208 = arith.constant 160 : i32
    %dma_start3A_209 = tpu.memref_slice %arg6[%dma_start3A_208] : memref<512xi32, #tpu.memory_space<vmem>> -> memref<32xi32, #tpu.memory_space<vmem>>
    %dma_start3A_210 = arith.constant 0 : i32
    %dma_start3A_211 = arith.constant 0 : i32
    %dma_start3A_212 = tpu.memref_slice %arg3[%dma_start3A_210, %dma_start3A_211] : memref<8192x1024xf32, #tpu.memory_space<hbm>> -> memref<8192x1024xf32, #tpu.memory_space<hbm>>
    tpu.enqueue_indirect_dma source(%dma_start3A_212 : memref<8192x1024xf32, #tpu.memory_space<hbm>>) target(%arg9 : memref<32x1024xf32, #tpu.memory_space<vmem>>) offsets(%dma_start3A_209 : memref<32xi32, #tpu.memory_space<vmem>>) semaphore(%arg12 : memref<!tpu.dma_semaphore, #tpu.memory_space<semaphore_mem>>)
    %dma_wait3A_213 = arith.constant 96 : i32
    %dma_wait3A_214 = tpu.memref_slice %arg6[%dma_wait3A_213] : memref<512xi32, #tpu.memory_space<vmem>> -> memref<32xi32, #tpu.memory_space<vmem>>
    %dma_wait3A_215 = arith.constant 0 : i32
    %dma_wait3A_216 = arith.constant 0 : i32
    %dma_wait3A_217 = tpu.memref_slice %arg3[%dma_wait3A_215, %dma_wait3A_216] : memref<8192x1024xf32, #tpu.memory_space<hbm>> -> memref<8192x1024xf32, #tpu.memory_space<hbm>>
    tpu.wait_indirect_dma semaphore(%arg10 : memref<!tpu.dma_semaphore, #tpu.memory_space<semaphore_mem>>) src(%dma_wait3A_217 : memref<8192x1024xf32, #tpu.memory_space<hbm>>) dst(%arg7 : memref<32x1024xf32, #tpu.memory_space<vmem>>)
    %add3A_218 = arith.constant 96 : i32
    %add3A_219 = arith.addi %mul3A_139, %add3A_218 : i32
    %dma_start3A_220 = arith.constant 0 : i32
    %dma_start3A_221 = tpu.memref_slice %arg4[%add3A_219, %dma_start3A_220] : memref<16384x1024xf32, #tpu.memory_space<hbm>> -> memref<32x1024xf32, #tpu.memory_space<hbm>>
    %dma_start3A_222 = arith.constant 0 : i32
    %dma_start3A_223 = tpu.memref_slice %arg4[%add3A_219, %dma_start3A_222] : memref<16384x1024xf32, #tpu.memory_space<hbm>> -> memref<32x1024xf32, #tpu.memory_space<hbm>>
    tpu.enqueue_dma source(%arg7 : memref<32x1024xf32, #tpu.memory_space<vmem>>) target(%dma_start3A_223 : memref<32x1024xf32, #tpu.memory_space<hbm>>) target_semaphore(%arg13 : memref<!tpu.dma_semaphore, #tpu.memory_space<semaphore_mem>>)
    %dma_wait3A_224 = arith.constant 0 : i32
    %dma_wait3A_225 = tpu.memref_slice %arg4[%add3A_219, %dma_wait3A_224] : memref<16384x1024xf32, #tpu.memory_space<hbm>> -> memref<32x1024xf32, #tpu.memory_space<hbm>>
    %dma_wait3A_226 = arith.constant 0 : i32
    %dma_wait3A_227 = tpu.memref_slice %arg4[%add3A_219, %dma_wait3A_226] : memref<16384x1024xf32, #tpu.memory_space<hbm>> -> memref<32x1024xf32, #tpu.memory_space<hbm>>
    tpu.wait_dma2 semaphore(%arg13 : memref<!tpu.dma_semaphore, #tpu.memory_space<semaphore_mem>>) src(%arg7 : memref<32x1024xf32, #tpu.memory_space<vmem>>) dst(%dma_wait3A_227 : memref<32x1024xf32, #tpu.memory_space<hbm>>)
    %dma_start3A_228 = arith.constant 192 : i32
    %dma_start3A_229 = tpu.memref_slice %arg6[%dma_start3A_228] : memref<512xi32, #tpu.memory_space<vmem>> -> memref<32xi32, #tpu.memory_space<vmem>>
    %dma_start3A_230 = arith.constant 0 : i32
    %dma_start3A_231 = arith.constant 0 : i32
    %dma_start3A_232 = tpu.memref_slice %arg3[%dma_start3A_230, %dma_start3A_231] : memref<8192x1024xf32, #tpu.memory_space<hbm>> -> memref<8192x1024xf32, #tpu.memory_space<hbm>>
    tpu.enqueue_indirect_dma source(%dma_start3A_232 : memref<8192x1024xf32, #tpu.memory_space<hbm>>) target(%arg7 : memref<32x1024xf32, #tpu.memory_space<vmem>>) offsets(%dma_start3A_229 : memref<32xi32, #tpu.memory_space<vmem>>) semaphore(%arg10 : memref<!tpu.dma_semaphore, #tpu.memory_space<semaphore_mem>>)
    %dma_wait3A_233 = arith.constant 128 : i32
    %dma_wait3A_234 = tpu.memref_slice %arg6[%dma_wait3A_233] : memref<512xi32, #tpu.memory_space<vmem>> -> memref<32xi32, #tpu.memory_space<vmem>>
    %dma_wait3A_235 = arith.constant 0 : i32
    %dma_wait3A_236 = arith.constant 0 : i32
    %dma_wait3A_237 = tpu.memref_slice %arg3[%dma_wait3A_235, %dma_wait3A_236] : memref<8192x1024xf32, #tpu.memory_space<hbm>> -> memref<8192x1024xf32, #tpu.memory_space<hbm>>
    tpu.wait_indirect_dma semaphore(%arg11 : memref<!tpu.dma_semaphore, #tpu.memory_space<semaphore_mem>>) src(%dma_wait3A_237 : memref<8192x1024xf32, #tpu.memory_space<hbm>>) dst(%arg8 : memref<32x1024xf32, #tpu.memory_space<vmem>>)
    %add3A_238 = arith.constant 128 : i32
    %add3A_239 = arith.addi %mul3A_139, %add3A_238 : i32
    %dma_start3A_240 = arith.constant 0 : i32
    %dma_start3A_241 = tpu.memref_slice %arg4[%add3A_239, %dma_start3A_240] : memref<16384x1024xf32, #tpu.memory_space<hbm>> -> memref<32x1024xf32, #tpu.memory_space<hbm>>
    %dma_start3A_242 = arith.constant 0 : i32
    %dma_start3A_243 = tpu.memref_slice %arg4[%add3A_239, %dma_start3A_242] : memref<16384x1024xf32, #tpu.memory_space<hbm>> -> memref<32x1024xf32, #tpu.memory_space<hbm>>
    tpu.enqueue_dma source(%arg8 : memref<32x1024xf32, #tpu.memory_space<vmem>>) target(%dma_start3A_243 : memref<32x1024xf32, #tpu.memory_space<hbm>>) target_semaphore(%arg14 : memref<!tpu.dma_semaphore, #tpu.memory_space<semaphore_mem>>)
    %dma_wait3A_244 = arith.constant 0 : i32
    %dma_wait3A_245 = tpu.memref_slice %arg4[%add3A_239, %dma_wait3A_244] : memref<16384x1024xf32, #tpu.memory_space<hbm>> -> memref<32x1024xf32, #tpu.memory_space<hbm>>
    %dma_wait3A_246 = arith.constant 0 : i32
    %dma_wait3A_247 = tpu.memref_slice %arg4[%add3A_239, %dma_wait3A_246] : memref<16384x1024xf32, #tpu.memory_space<hbm>> -> memref<32x1024xf32, #tpu.memory_space<hbm>>
    tpu.wait_dma2 semaphore(%arg14 : memref<!tpu.dma_semaphore, #tpu.memory_space<semaphore_mem>>) src(%arg8 : memref<32x1024xf32, #tpu.memory_space<vmem>>) dst(%dma_wait3A_247 : memref<32x1024xf32, #tpu.memory_space<hbm>>)
    %dma_start3A_248 = arith.constant 224 : i32
    %dma_start3A_249 = tpu.memref_slice %arg6[%dma_start3A_248] : memref<512xi32, #tpu.memory_space<vmem>> -> memref<32xi32, #tpu.memory_space<vmem>>
    %dma_start3A_250 = arith.constant 0 : i32
    %dma_start3A_251 = arith.constant 0 : i32
    %dma_start3A_252 = tpu.memref_slice %arg3[%dma_start3A_250, %dma_start3A_251] : memref<8192x1024xf32, #tpu.memory_space<hbm>> -> memref<8192x1024xf32, #tpu.memory_space<hbm>>
    tpu.enqueue_indirect_dma source(%dma_start3A_252 : memref<8192x1024xf32, #tpu.memory_space<hbm>>) target(%arg8 : memref<32x1024xf32, #tpu.memory_space<vmem>>) offsets(%dma_start3A_249 : memref<32xi32, #tpu.memory_space<vmem>>) semaphore(%arg11 : memref<!tpu.dma_semaphore, #tpu.memory_space<semaphore_mem>>)
    %dma_wait3A_253 = arith.constant 160 : i32
    %dma_wait3A_254 = tpu.memref_slice %arg6[%dma_wait3A_253] : memref<512xi32, #tpu.memory_space<vmem>> -> memref<32xi32, #tpu.memory_space<vmem>>
    %dma_wait3A_255 = arith.constant 0 : i32
    %dma_wait3A_256 = arith.constant 0 : i32
    %dma_wait3A_257 = tpu.memref_slice %arg3[%dma_wait3A_255, %dma_wait3A_256] : memref<8192x1024xf32, #tpu.memory_space<hbm>> -> memref<8192x1024xf32, #tpu.memory_space<hbm>>
    tpu.wait_indirect_dma semaphore(%arg12 : memref<!tpu.dma_semaphore, #tpu.memory_space<semaphore_mem>>) src(%dma_wait3A_257 : memref<8192x1024xf32, #tpu.memory_space<hbm>>) dst(%arg9 : memref<32x1024xf32, #tpu.memory_space<vmem>>)
    %add3A_258 = arith.constant 160 : i32
    %add3A_259 = arith.addi %mul3A_139, %add3A_258 : i32
    %dma_start3A_260 = arith.constant 0 : i32
    %dma_start3A_261 = tpu.memref_slice %arg4[%add3A_259, %dma_start3A_260] : memref<16384x1024xf32, #tpu.memory_space<hbm>> -> memref<32x1024xf32, #tpu.memory_space<hbm>>
    %dma_start3A_262 = arith.constant 0 : i32
    %dma_start3A_263 = tpu.memref_slice %arg4[%add3A_259, %dma_start3A_262] : memref<16384x1024xf32, #tpu.memory_space<hbm>> -> memref<32x1024xf32, #tpu.memory_space<hbm>>
    tpu.enqueue_dma source(%arg9 : memref<32x1024xf32, #tpu.memory_space<vmem>>) target(%dma_start3A_263 : memref<32x1024xf32, #tpu.memory_space<hbm>>) target_semaphore(%arg15 : memref<!tpu.dma_semaphore, #tpu.memory_space<semaphore_mem>>)
    %dma_wait3A_264 = arith.constant 0 : i32
    %dma_wait3A_265 = tpu.memref_slice %arg4[%add3A_259, %dma_wait3A_264] : memref<16384x1024xf32, #tpu.memory_space<hbm>> -> memref<32x1024xf32, #tpu.memory_space<hbm>>
    %dma_wait3A_266 = arith.constant 0 : i32
    %dma_wait3A_267 = tpu.memref_slice %arg4[%add3A_259, %dma_wait3A_266] : memref<16384x1024xf32, #tpu.memory_space<hbm>> -> memref<32x1024xf32, #tpu.memory_space<hbm>>
    tpu.wait_dma2 semaphore(%arg15 : memref<!tpu.dma_semaphore, #tpu.memory_space<semaphore_mem>>) src(%arg9 : memref<32x1024xf32, #tpu.memory_space<vmem>>) dst(%dma_wait3A_267 : memref<32x1024xf32, #tpu.memory_space<hbm>>)
    %dma_start3A_268 = arith.constant 256 : i32
    %dma_start3A_269 = tpu.memref_slice %arg6[%dma_start3A_268] : memref<512xi32, #tpu.memory_space<vmem>> -> memref<32xi32, #tpu.memory_space<vmem>>
    %dma_start3A_270 = arith.constant 0 : i32
    %dma_start3A_271 = arith.constant 0 : i32
    %dma_start3A_272 = tpu.memref_slice %arg3[%dma_start3A_270, %dma_start3A_271] : memref<8192x1024xf32, #tpu.memory_space<hbm>> -> memref<8192x1024xf32, #tpu.memory_space<hbm>>
    tpu.enqueue_indirect_dma source(%dma_start3A_272 : memref<8192x1024xf32, #tpu.memory_space<hbm>>) target(%arg9 : memref<32x1024xf32, #tpu.memory_space<vmem>>) offsets(%dma_start3A_269 : memref<32xi32, #tpu.memory_space<vmem>>) semaphore(%arg12 : memref<!tpu.dma_semaphore, #tpu.memory_space<semaphore_mem>>)
    %dma_wait3A_273 = arith.constant 192 : i32
    %dma_wait3A_274 = tpu.memref_slice %arg6[%dma_wait3A_273] : memref<512xi32, #tpu.memory_space<vmem>> -> memref<32xi32, #tpu.memory_space<vmem>>
    %dma_wait3A_275 = arith.constant 0 : i32
    %dma_wait3A_276 = arith.constant 0 : i32
    %dma_wait3A_277 = tpu.memref_slice %arg3[%dma_wait3A_275, %dma_wait3A_276] : memref<8192x1024xf32, #tpu.memory_space<hbm>> -> memref<8192x1024xf32, #tpu.memory_space<hbm>>
    tpu.wait_indirect_dma semaphore(%arg10 : memref<!tpu.dma_semaphore, #tpu.memory_space<semaphore_mem>>) src(%dma_wait3A_277 : memref<8192x1024xf32, #tpu.memory_space<hbm>>) dst(%arg7 : memref<32x1024xf32, #tpu.memory_space<vmem>>)
    %add3A_278 = arith.constant 192 : i32
    %add3A_279 = arith.addi %mul3A_139, %add3A_278 : i32
    %dma_start3A_280 = arith.constant 0 : i32
    %dma_start3A_281 = tpu.memref_slice %arg4[%add3A_279, %dma_start3A_280] : memref<16384x1024xf32, #tpu.memory_space<hbm>> -> memref<32x1024xf32, #tpu.memory_space<hbm>>
    %dma_start3A_282 = arith.constant 0 : i32
    %dma_start3A_283 = tpu.memref_slice %arg4[%add3A_279, %dma_start3A_282] : memref<16384x1024xf32, #tpu.memory_space<hbm>> -> memref<32x1024xf32, #tpu.memory_space<hbm>>
    tpu.enqueue_dma source(%arg7 : memref<32x1024xf32, #tpu.memory_space<vmem>>) target(%dma_start3A_283 : memref<32x1024xf32, #tpu.memory_space<hbm>>) target_semaphore(%arg13 : memref<!tpu.dma_semaphore, #tpu.memory_space<semaphore_mem>>)
    %dma_wait3A_284 = arith.constant 0 : i32
    %dma_wait3A_285 = tpu.memref_slice %arg4[%add3A_279, %dma_wait3A_284] : memref<16384x1024xf32, #tpu.memory_space<hbm>> -> memref<32x1024xf32, #tpu.memory_space<hbm>>
    %dma_wait3A_286 = arith.constant 0 : i32
    %dma_wait3A_287 = tpu.memref_slice %arg4[%add3A_279, %dma_wait3A_286] : memref<16384x1024xf32, #tpu.memory_space<hbm>> -> memref<32x1024xf32, #tpu.memory_space<hbm>>
    tpu.wait_dma2 semaphore(%arg13 : memref<!tpu.dma_semaphore, #tpu.memory_space<semaphore_mem>>) src(%arg7 : memref<32x1024xf32, #tpu.memory_space<vmem>>) dst(%dma_wait3A_287 : memref<32x1024xf32, #tpu.memory_space<hbm>>)
    %dma_start3A_288 = arith.constant 288 : i32
    %dma_start3A_289 = tpu.memref_slice %arg6[%dma_start3A_288] : memref<512xi32, #tpu.memory_space<vmem>> -> memref<32xi32, #tpu.memory_space<vmem>>
    %dma_start3A_290 = arith.constant 0 : i32
    %dma_start3A_291 = arith.constant 0 : i32
    %dma_start3A_292 = tpu.memref_slice %arg3[%dma_start3A_290, %dma_start3A_291] : memref<8192x1024xf32, #tpu.memory_space<hbm>> -> memref<8192x1024xf32, #tpu.memory_space<hbm>>
    tpu.enqueue_indirect_dma source(%dma_start3A_292 : memref<8192x1024xf32, #tpu.memory_space<hbm>>) target(%arg7 : memref<32x1024xf32, #tpu.memory_space<vmem>>) offsets(%dma_start3A_289 : memref<32xi32, #tpu.memory_space<vmem>>) semaphore(%arg10 : memref<!tpu.dma_semaphore, #tpu.memory_space<semaphore_mem>>)
    %dma_wait3A_293 = arith.constant 224 : i32
    %dma_wait3A_294 = tpu.memref_slice %arg6[%dma_wait3A_293] : memref<512xi32, #tpu.memory_space<vmem>> -> memref<32xi32, #tpu.memory_space<vmem>>
    %dma_wait3A_295 = arith.constant 0 : i32
    %dma_wait3A_296 = arith.constant 0 : i32
    %dma_wait3A_297 = tpu.memref_slice %arg3[%dma_wait3A_295, %dma_wait3A_296] : memref<8192x1024xf32, #tpu.memory_space<hbm>> -> memref<8192x1024xf32, #tpu.memory_space<hbm>>
    tpu.wait_indirect_dma semaphore(%arg11 : memref<!tpu.dma_semaphore, #tpu.memory_space<semaphore_mem>>) src(%dma_wait3A_297 : memref<8192x1024xf32, #tpu.memory_space<hbm>>) dst(%arg8 : memref<32x1024xf32, #tpu.memory_space<vmem>>)
    %add3A_298 = arith.constant 224 : i32
    %add3A_299 = arith.addi %mul3A_139, %add3A_298 : i32
    %dma_start3A_300 = arith.constant 0 : i32
    %dma_start3A_301 = tpu.memref_slice %arg4[%add3A_299, %dma_start3A_300] : memref<16384x1024xf32, #tpu.memory_space<hbm>> -> memref<32x1024xf32, #tpu.memory_space<hbm>>
    %dma_start3A_302 = arith.constant 0 : i32
    %dma_start3A_303 = tpu.memref_slice %arg4[%add3A_299, %dma_start3A_302] : memref<16384x1024xf32, #tpu.memory_space<hbm>> -> memref<32x1024xf32, #tpu.memory_space<hbm>>
    tpu.enqueue_dma source(%arg8 : memref<32x1024xf32, #tpu.memory_space<vmem>>) target(%dma_start3A_303 : memref<32x1024xf32, #tpu.memory_space<hbm>>) target_semaphore(%arg14 : memref<!tpu.dma_semaphore, #tpu.memory_space<semaphore_mem>>)
    %dma_wait3A_304 = arith.constant 0 : i32
    %dma_wait3A_305 = tpu.memref_slice %arg4[%add3A_299, %dma_wait3A_304] : memref<16384x1024xf32, #tpu.memory_space<hbm>> -> memref<32x1024xf32, #tpu.memory_space<hbm>>
    %dma_wait3A_306 = arith.constant 0 : i32
    %dma_wait3A_307 = tpu.memref_slice %arg4[%add3A_299, %dma_wait3A_306] : memref<16384x1024xf32, #tpu.memory_space<hbm>> -> memref<32x1024xf32, #tpu.memory_space<hbm>>
    tpu.wait_dma2 semaphore(%arg14 : memref<!tpu.dma_semaphore, #tpu.memory_space<semaphore_mem>>) src(%arg8 : memref<32x1024xf32, #tpu.memory_space<vmem>>) dst(%dma_wait3A_307 : memref<32x1024xf32, #tpu.memory_space<hbm>>)
    %dma_start3A_308 = arith.constant 320 : i32
    %dma_start3A_309 = tpu.memref_slice %arg6[%dma_start3A_308] : memref<512xi32, #tpu.memory_space<vmem>> -> memref<32xi32, #tpu.memory_space<vmem>>
    %dma_start3A_310 = arith.constant 0 : i32
    %dma_start3A_311 = arith.constant 0 : i32
    %dma_start3A_312 = tpu.memref_slice %arg3[%dma_start3A_310, %dma_start3A_311] : memref<8192x1024xf32, #tpu.memory_space<hbm>> -> memref<8192x1024xf32, #tpu.memory_space<hbm>>
    tpu.enqueue_indirect_dma source(%dma_start3A_312 : memref<8192x1024xf32, #tpu.memory_space<hbm>>) target(%arg8 : memref<32x1024xf32, #tpu.memory_space<vmem>>) offsets(%dma_start3A_309 : memref<32xi32, #tpu.memory_space<vmem>>) semaphore(%arg11 : memref<!tpu.dma_semaphore, #tpu.memory_space<semaphore_mem>>)
    %dma_wait3A_313 = arith.constant 256 : i32
    %dma_wait3A_314 = tpu.memref_slice %arg6[%dma_wait3A_313] : memref<512xi32, #tpu.memory_space<vmem>> -> memref<32xi32, #tpu.memory_space<vmem>>
    %dma_wait3A_315 = arith.constant 0 : i32
    %dma_wait3A_316 = arith.constant 0 : i32
    %dma_wait3A_317 = tpu.memref_slice %arg3[%dma_wait3A_315, %dma_wait3A_316] : memref<8192x1024xf32, #tpu.memory_space<hbm>> -> memref<8192x1024xf32, #tpu.memory_space<hbm>>
    tpu.wait_indirect_dma semaphore(%arg12 : memref<!tpu.dma_semaphore, #tpu.memory_space<semaphore_mem>>) src(%dma_wait3A_317 : memref<8192x1024xf32, #tpu.memory_space<hbm>>) dst(%arg9 : memref<32x1024xf32, #tpu.memory_space<vmem>>)
    %add3A_318 = arith.constant 256 : i32
    %add3A_319 = arith.addi %mul3A_139, %add3A_318 : i32
    %dma_start3A_320 = arith.constant 0 : i32
    %dma_start3A_321 = tpu.memref_slice %arg4[%add3A_319, %dma_start3A_320] : memref<16384x1024xf32, #tpu.memory_space<hbm>> -> memref<32x1024xf32, #tpu.memory_space<hbm>>
    %dma_start3A_322 = arith.constant 0 : i32
    %dma_start3A_323 = tpu.memref_slice %arg4[%add3A_319, %dma_start3A_322] : memref<16384x1024xf32, #tpu.memory_space<hbm>> -> memref<32x1024xf32, #tpu.memory_space<hbm>>
    tpu.enqueue_dma source(%arg9 : memref<32x1024xf32, #tpu.memory_space<vmem>>) target(%dma_start3A_323 : memref<32x1024xf32, #tpu.memory_space<hbm>>) target_semaphore(%arg15 : memref<!tpu.dma_semaphore, #tpu.memory_space<semaphore_mem>>)
    %dma_wait3A_324 = arith.constant 0 : i32
    %dma_wait3A_325 = tpu.memref_slice %arg4[%add3A_319, %dma_wait3A_324] : memref<16384x1024xf32, #tpu.memory_space<hbm>> -> memref<32x1024xf32, #tpu.memory_space<hbm>>
    %dma_wait3A_326 = arith.constant 0 : i32
    %dma_wait3A_327 = tpu.memref_slice %arg4[%add3A_319, %dma_wait3A_326] : memref<16384x1024xf32, #tpu.memory_space<hbm>> -> memref<32x1024xf32, #tpu.memory_space<hbm>>
    tpu.wait_dma2 semaphore(%arg15 : memref<!tpu.dma_semaphore, #tpu.memory_space<semaphore_mem>>) src(%arg9 : memref<32x1024xf32, #tpu.memory_space<vmem>>) dst(%dma_wait3A_327 : memref<32x1024xf32, #tpu.memory_space<hbm>>)
    %dma_start3A_328 = arith.constant 352 : i32
    %dma_start3A_329 = tpu.memref_slice %arg6[%dma_start3A_328] : memref<512xi32, #tpu.memory_space<vmem>> -> memref<32xi32, #tpu.memory_space<vmem>>
    %dma_start3A_330 = arith.constant 0 : i32
    %dma_start3A_331 = arith.constant 0 : i32
    %dma_start3A_332 = tpu.memref_slice %arg3[%dma_start3A_330, %dma_start3A_331] : memref<8192x1024xf32, #tpu.memory_space<hbm>> -> memref<8192x1024xf32, #tpu.memory_space<hbm>>
    tpu.enqueue_indirect_dma source(%dma_start3A_332 : memref<8192x1024xf32, #tpu.memory_space<hbm>>) target(%arg9 : memref<32x1024xf32, #tpu.memory_space<vmem>>) offsets(%dma_start3A_329 : memref<32xi32, #tpu.memory_space<vmem>>) semaphore(%arg12 : memref<!tpu.dma_semaphore, #tpu.memory_space<semaphore_mem>>)
    %dma_wait3A_333 = arith.constant 288 : i32
    %dma_wait3A_334 = tpu.memref_slice %arg6[%dma_wait3A_333] : memref<512xi32, #tpu.memory_space<vmem>> -> memref<32xi32, #tpu.memory_space<vmem>>
    %dma_wait3A_335 = arith.constant 0 : i32
    %dma_wait3A_336 = arith.constant 0 : i32
    %dma_wait3A_337 = tpu.memref_slice %arg3[%dma_wait3A_335, %dma_wait3A_336] : memref<8192x1024xf32, #tpu.memory_space<hbm>> -> memref<8192x1024xf32, #tpu.memory_space<hbm>>
    tpu.wait_indirect_dma semaphore(%arg10 : memref<!tpu.dma_semaphore, #tpu.memory_space<semaphore_mem>>) src(%dma_wait3A_337 : memref<8192x1024xf32, #tpu.memory_space<hbm>>) dst(%arg7 : memref<32x1024xf32, #tpu.memory_space<vmem>>)
    %add3A_338 = arith.constant 288 : i32
    %add3A_339 = arith.addi %mul3A_139, %add3A_338 : i32
    %dma_start3A_340 = arith.constant 0 : i32
    %dma_start3A_341 = tpu.memref_slice %arg4[%add3A_339, %dma_start3A_340] : memref<16384x1024xf32, #tpu.memory_space<hbm>> -> memref<32x1024xf32, #tpu.memory_space<hbm>>
    %dma_start3A_342 = arith.constant 0 : i32
    %dma_start3A_343 = tpu.memref_slice %arg4[%add3A_339, %dma_start3A_342] : memref<16384x1024xf32, #tpu.memory_space<hbm>> -> memref<32x1024xf32, #tpu.memory_space<hbm>>
    tpu.enqueue_dma source(%arg7 : memref<32x1024xf32, #tpu.memory_space<vmem>>) target(%dma_start3A_343 : memref<32x1024xf32, #tpu.memory_space<hbm>>) target_semaphore(%arg13 : memref<!tpu.dma_semaphore, #tpu.memory_space<semaphore_mem>>)
    %dma_wait3A_344 = arith.constant 0 : i32
    %dma_wait3A_345 = tpu.memref_slice %arg4[%add3A_339, %dma_wait3A_344] : memref<16384x1024xf32, #tpu.memory_space<hbm>> -> memref<32x1024xf32, #tpu.memory_space<hbm>>
    %dma_wait3A_346 = arith.constant 0 : i32
    %dma_wait3A_347 = tpu.memref_slice %arg4[%add3A_339, %dma_wait3A_346] : memref<16384x1024xf32, #tpu.memory_space<hbm>> -> memref<32x1024xf32, #tpu.memory_space<hbm>>
    tpu.wait_dma2 semaphore(%arg13 : memref<!tpu.dma_semaphore, #tpu.memory_space<semaphore_mem>>) src(%arg7 : memref<32x1024xf32, #tpu.memory_space<vmem>>) dst(%dma_wait3A_347 : memref<32x1024xf32, #tpu.memory_space<hbm>>)
    %dma_start3A_348 = arith.constant 384 : i32
    %dma_start3A_349 = tpu.memref_slice %arg6[%dma_start3A_348] : memref<512xi32, #tpu.memory_space<vmem>> -> memref<32xi32, #tpu.memory_space<vmem>>
    %dma_start3A_350 = arith.constant 0 : i32
    %dma_start3A_351 = arith.constant 0 : i32
    %dma_start3A_352 = tpu.memref_slice %arg3[%dma_start3A_350, %dma_start3A_351] : memref<8192x1024xf32, #tpu.memory_space<hbm>> -> memref<8192x1024xf32, #tpu.memory_space<hbm>>
    tpu.enqueue_indirect_dma source(%dma_start3A_352 : memref<8192x1024xf32, #tpu.memory_space<hbm>>) target(%arg7 : memref<32x1024xf32, #tpu.memory_space<vmem>>) offsets(%dma_start3A_349 : memref<32xi32, #tpu.memory_space<vmem>>) semaphore(%arg10 : memref<!tpu.dma_semaphore, #tpu.memory_space<semaphore_mem>>)
    %dma_wait3A_353 = arith.constant 320 : i32
    %dma_wait3A_354 = tpu.memref_slice %arg6[%dma_wait3A_353] : memref<512xi32, #tpu.memory_space<vmem>> -> memref<32xi32, #tpu.memory_space<vmem>>
    %dma_wait3A_355 = arith.constant 0 : i32
    %dma_wait3A_356 = arith.constant 0 : i32
    %dma_wait3A_357 = tpu.memref_slice %arg3[%dma_wait3A_355, %dma_wait3A_356] : memref<8192x1024xf32, #tpu.memory_space<hbm>> -> memref<8192x1024xf32, #tpu.memory_space<hbm>>
    tpu.wait_indirect_dma semaphore(%arg11 : memref<!tpu.dma_semaphore, #tpu.memory_space<semaphore_mem>>) src(%dma_wait3A_357 : memref<8192x1024xf32, #tpu.memory_space<hbm>>) dst(%arg8 : memref<32x1024xf32, #tpu.memory_space<vmem>>)
    %add3A_358 = arith.constant 320 : i32
    %add3A_359 = arith.addi %mul3A_139, %add3A_358 : i32
    %dma_start3A_360 = arith.constant 0 : i32
    %dma_start3A_361 = tpu.memref_slice %arg4[%add3A_359, %dma_start3A_360] : memref<16384x1024xf32, #tpu.memory_space<hbm>> -> memref<32x1024xf32, #tpu.memory_space<hbm>>
    %dma_start3A_362 = arith.constant 0 : i32
    %dma_start3A_363 = tpu.memref_slice %arg4[%add3A_359, %dma_start3A_362] : memref<16384x1024xf32, #tpu.memory_space<hbm>> -> memref<32x1024xf32, #tpu.memory_space<hbm>>
    tpu.enqueue_dma source(%arg8 : memref<32x1024xf32, #tpu.memory_space<vmem>>) target(%dma_start3A_363 : memref<32x1024xf32, #tpu.memory_space<hbm>>) target_semaphore(%arg14 : memref<!tpu.dma_semaphore, #tpu.memory_space<semaphore_mem>>)
    %dma_wait3A_364 = arith.constant 0 : i32
    %dma_wait3A_365 = tpu.memref_slice %arg4[%add3A_359, %dma_wait3A_364] : memref<16384x1024xf32, #tpu.memory_space<hbm>> -> memref<32x1024xf32, #tpu.memory_space<hbm>>
    %dma_wait3A_366 = arith.constant 0 : i32
    %dma_wait3A_367 = tpu.memref_slice %arg4[%add3A_359, %dma_wait3A_366] : memref<16384x1024xf32, #tpu.memory_space<hbm>> -> memref<32x1024xf32, #tpu.memory_space<hbm>>
    tpu.wait_dma2 semaphore(%arg14 : memref<!tpu.dma_semaphore, #tpu.memory_space<semaphore_mem>>) src(%arg8 : memref<32x1024xf32, #tpu.memory_space<vmem>>) dst(%dma_wait3A_367 : memref<32x1024xf32, #tpu.memory_space<hbm>>)
    %dma_start3A_368 = arith.constant 416 : i32
    %dma_start3A_369 = tpu.memref_slice %arg6[%dma_start3A_368] : memref<512xi32, #tpu.memory_space<vmem>> -> memref<32xi32, #tpu.memory_space<vmem>>
    %dma_start3A_370 = arith.constant 0 : i32
    %dma_start3A_371 = arith.constant 0 : i32
    %dma_start3A_372 = tpu.memref_slice %arg3[%dma_start3A_370, %dma_start3A_371] : memref<8192x1024xf32, #tpu.memory_space<hbm>> -> memref<8192x1024xf32, #tpu.memory_space<hbm>>
    tpu.enqueue_indirect_dma source(%dma_start3A_372 : memref<8192x1024xf32, #tpu.memory_space<hbm>>) target(%arg8 : memref<32x1024xf32, #tpu.memory_space<vmem>>) offsets(%dma_start3A_369 : memref<32xi32, #tpu.memory_space<vmem>>) semaphore(%arg11 : memref<!tpu.dma_semaphore, #tpu.memory_space<semaphore_mem>>)
    %dma_wait3A_373 = arith.constant 352 : i32
    %dma_wait3A_374 = tpu.memref_slice %arg6[%dma_wait3A_373] : memref<512xi32, #tpu.memory_space<vmem>> -> memref<32xi32, #tpu.memory_space<vmem>>
    %dma_wait3A_375 = arith.constant 0 : i32
    %dma_wait3A_376 = arith.constant 0 : i32
    %dma_wait3A_377 = tpu.memref_slice %arg3[%dma_wait3A_375, %dma_wait3A_376] : memref<8192x1024xf32, #tpu.memory_space<hbm>> -> memref<8192x1024xf32, #tpu.memory_space<hbm>>
    tpu.wait_indirect_dma semaphore(%arg12 : memref<!tpu.dma_semaphore, #tpu.memory_space<semaphore_mem>>) src(%dma_wait3A_377 : memref<8192x1024xf32, #tpu.memory_space<hbm>>) dst(%arg9 : memref<32x1024xf32, #tpu.memory_space<vmem>>)
    %add3A_378 = arith.constant 352 : i32
    %add3A_379 = arith.addi %mul3A_139, %add3A_378 : i32
    %dma_start3A_380 = arith.constant 0 : i32
    %dma_start3A_381 = tpu.memref_slice %arg4[%add3A_379, %dma_start3A_380] : memref<16384x1024xf32, #tpu.memory_space<hbm>> -> memref<32x1024xf32, #tpu.memory_space<hbm>>
    %dma_start3A_382 = arith.constant 0 : i32
    %dma_start3A_383 = tpu.memref_slice %arg4[%add3A_379, %dma_start3A_382] : memref<16384x1024xf32, #tpu.memory_space<hbm>> -> memref<32x1024xf32, #tpu.memory_space<hbm>>
    tpu.enqueue_dma source(%arg9 : memref<32x1024xf32, #tpu.memory_space<vmem>>) target(%dma_start3A_383 : memref<32x1024xf32, #tpu.memory_space<hbm>>) target_semaphore(%arg15 : memref<!tpu.dma_semaphore, #tpu.memory_space<semaphore_mem>>)
    %dma_wait3A_384 = arith.constant 0 : i32
    %dma_wait3A_385 = tpu.memref_slice %arg4[%add3A_379, %dma_wait3A_384] : memref<16384x1024xf32, #tpu.memory_space<hbm>> -> memref<32x1024xf32, #tpu.memory_space<hbm>>
    %dma_wait3A_386 = arith.constant 0 : i32
    %dma_wait3A_387 = tpu.memref_slice %arg4[%add3A_379, %dma_wait3A_386] : memref<16384x1024xf32, #tpu.memory_space<hbm>> -> memref<32x1024xf32, #tpu.memory_space<hbm>>
    tpu.wait_dma2 semaphore(%arg15 : memref<!tpu.dma_semaphore, #tpu.memory_space<semaphore_mem>>) src(%arg9 : memref<32x1024xf32, #tpu.memory_space<vmem>>) dst(%dma_wait3A_387 : memref<32x1024xf32, #tpu.memory_space<hbm>>)
    %dma_start3A_388 = arith.constant 448 : i32
    %dma_start3A_389 = tpu.memref_slice %arg6[%dma_start3A_388] : memref<512xi32, #tpu.memory_space<vmem>> -> memref<32xi32, #tpu.memory_space<vmem>>
    %dma_start3A_390 = arith.constant 0 : i32
    %dma_start3A_391 = arith.constant 0 : i32
    %dma_start3A_392 = tpu.memref_slice %arg3[%dma_start3A_390, %dma_start3A_391] : memref<8192x1024xf32, #tpu.memory_space<hbm>> -> memref<8192x1024xf32, #tpu.memory_space<hbm>>
    tpu.enqueue_indirect_dma source(%dma_start3A_392 : memref<8192x1024xf32, #tpu.memory_space<hbm>>) target(%arg9 : memref<32x1024xf32, #tpu.memory_space<vmem>>) offsets(%dma_start3A_389 : memref<32xi32, #tpu.memory_space<vmem>>) semaphore(%arg12 : memref<!tpu.dma_semaphore, #tpu.memory_space<semaphore_mem>>)
    %dma_wait3A_393 = arith.constant 384 : i32
    %dma_wait3A_394 = tpu.memref_slice %arg6[%dma_wait3A_393] : memref<512xi32, #tpu.memory_space<vmem>> -> memref<32xi32, #tpu.memory_space<vmem>>
    %dma_wait3A_395 = arith.constant 0 : i32
    %dma_wait3A_396 = arith.constant 0 : i32
    %dma_wait3A_397 = tpu.memref_slice %arg3[%dma_wait3A_395, %dma_wait3A_396] : memref<8192x1024xf32, #tpu.memory_space<hbm>> -> memref<8192x1024xf32, #tpu.memory_space<hbm>>
    tpu.wait_indirect_dma semaphore(%arg10 : memref<!tpu.dma_semaphore, #tpu.memory_space<semaphore_mem>>) src(%dma_wait3A_397 : memref<8192x1024xf32, #tpu.memory_space<hbm>>) dst(%arg7 : memref<32x1024xf32, #tpu.memory_space<vmem>>)
    %add3A_398 = arith.constant 384 : i32
    %add3A_399 = arith.addi %mul3A_139, %add3A_398 : i32
    %dma_start3A_400 = arith.constant 0 : i32
    %dma_start3A_401 = tpu.memref_slice %arg4[%add3A_399, %dma_start3A_400] : memref<16384x1024xf32, #tpu.memory_space<hbm>> -> memref<32x1024xf32, #tpu.memory_space<hbm>>
    %dma_start3A_402 = arith.constant 0 : i32
    %dma_start3A_403 = tpu.memref_slice %arg4[%add3A_399, %dma_start3A_402] : memref<16384x1024xf32, #tpu.memory_space<hbm>> -> memref<32x1024xf32, #tpu.memory_space<hbm>>
    tpu.enqueue_dma source(%arg7 : memref<32x1024xf32, #tpu.memory_space<vmem>>) target(%dma_start3A_403 : memref<32x1024xf32, #tpu.memory_space<hbm>>) target_semaphore(%arg13 : memref<!tpu.dma_semaphore, #tpu.memory_space<semaphore_mem>>)
    %dma_wait3A_404 = arith.constant 0 : i32
    %dma_wait3A_405 = tpu.memref_slice %arg4[%add3A_399, %dma_wait3A_404] : memref<16384x1024xf32, #tpu.memory_space<hbm>> -> memref<32x1024xf32, #tpu.memory_space<hbm>>
    %dma_wait3A_406 = arith.constant 0 : i32
    %dma_wait3A_407 = tpu.memref_slice %arg4[%add3A_399, %dma_wait3A_406] : memref<16384x1024xf32, #tpu.memory_space<hbm>> -> memref<32x1024xf32, #tpu.memory_space<hbm>>
    tpu.wait_dma2 semaphore(%arg13 : memref<!tpu.dma_semaphore, #tpu.memory_space<semaphore_mem>>) src(%arg7 : memref<32x1024xf32, #tpu.memory_space<vmem>>) dst(%dma_wait3A_407 : memref<32x1024xf32, #tpu.memory_space<hbm>>)
    %dma_start3A_408 = arith.constant 480 : i32
    %dma_start3A_409 = tpu.memref_slice %arg6[%dma_start3A_408] : memref<512xi32, #tpu.memory_space<vmem>> -> memref<32xi32, #tpu.memory_space<vmem>>
    %dma_start3A_410 = arith.constant 0 : i32
    %dma_start3A_411 = arith.constant 0 : i32
    %dma_start3A_412 = tpu.memref_slice %arg3[%dma_start3A_410, %dma_start3A_411] : memref<8192x1024xf32, #tpu.memory_space<hbm>> -> memref<8192x1024xf32, #tpu.memory_space<hbm>>
    tpu.enqueue_indirect_dma source(%dma_start3A_412 : memref<8192x1024xf32, #tpu.memory_space<hbm>>) target(%arg7 : memref<32x1024xf32, #tpu.memory_space<vmem>>) offsets(%dma_start3A_409 : memref<32xi32, #tpu.memory_space<vmem>>) semaphore(%arg10 : memref<!tpu.dma_semaphore, #tpu.memory_space<semaphore_mem>>)
    %dma_wait3A_413 = arith.constant 416 : i32
    %dma_wait3A_414 = tpu.memref_slice %arg6[%dma_wait3A_413] : memref<512xi32, #tpu.memory_space<vmem>> -> memref<32xi32, #tpu.memory_space<vmem>>
    %dma_wait3A_415 = arith.constant 0 : i32
    %dma_wait3A_416 = arith.constant 0 : i32
    %dma_wait3A_417 = tpu.memref_slice %arg3[%dma_wait3A_415, %dma_wait3A_416] : memref<8192x1024xf32, #tpu.memory_space<hbm>> -> memref<8192x1024xf32, #tpu.memory_space<hbm>>
    tpu.wait_indirect_dma semaphore(%arg11 : memref<!tpu.dma_semaphore, #tpu.memory_space<semaphore_mem>>) src(%dma_wait3A_417 : memref<8192x1024xf32, #tpu.memory_space<hbm>>) dst(%arg8 : memref<32x1024xf32, #tpu.memory_space<vmem>>)
    %add3A_418 = arith.constant 416 : i32
    %add3A_419 = arith.addi %mul3A_139, %add3A_418 : i32
    %dma_start3A_420 = arith.constant 0 : i32
    %dma_start3A_421 = tpu.memref_slice %arg4[%add3A_419, %dma_start3A_420] : memref<16384x1024xf32, #tpu.memory_space<hbm>> -> memref<32x1024xf32, #tpu.memory_space<hbm>>
    %dma_start3A_422 = arith.constant 0 : i32
    %dma_start3A_423 = tpu.memref_slice %arg4[%add3A_419, %dma_start3A_422] : memref<16384x1024xf32, #tpu.memory_space<hbm>> -> memref<32x1024xf32, #tpu.memory_space<hbm>>
    tpu.enqueue_dma source(%arg8 : memref<32x1024xf32, #tpu.memory_space<vmem>>) target(%dma_start3A_423 : memref<32x1024xf32, #tpu.memory_space<hbm>>) target_semaphore(%arg14 : memref<!tpu.dma_semaphore, #tpu.memory_space<semaphore_mem>>)
    %dma_wait3A_424 = arith.constant 448 : i32
    %dma_wait3A_425 = tpu.memref_slice %arg6[%dma_wait3A_424] : memref<512xi32, #tpu.memory_space<vmem>> -> memref<32xi32, #tpu.memory_space<vmem>>
    %dma_wait3A_426 = arith.constant 0 : i32
    %dma_wait3A_427 = arith.constant 0 : i32
    %dma_wait3A_428 = tpu.memref_slice %arg3[%dma_wait3A_426, %dma_wait3A_427] : memref<8192x1024xf32, #tpu.memory_space<hbm>> -> memref<8192x1024xf32, #tpu.memory_space<hbm>>
    tpu.wait_indirect_dma semaphore(%arg12 : memref<!tpu.dma_semaphore, #tpu.memory_space<semaphore_mem>>) src(%dma_wait3A_428 : memref<8192x1024xf32, #tpu.memory_space<hbm>>) dst(%arg9 : memref<32x1024xf32, #tpu.memory_space<vmem>>)
    %add3A_429 = arith.constant 448 : i32
    %add3A_430 = arith.addi %mul3A_139, %add3A_429 : i32
    %dma_start3A_431 = arith.constant 0 : i32
    %dma_start3A_432 = tpu.memref_slice %arg4[%add3A_430, %dma_start3A_431] : memref<16384x1024xf32, #tpu.memory_space<hbm>> -> memref<32x1024xf32, #tpu.memory_space<hbm>>
    %dma_start3A_433 = arith.constant 0 : i32
    %dma_start3A_434 = tpu.memref_slice %arg4[%add3A_430, %dma_start3A_433] : memref<16384x1024xf32, #tpu.memory_space<hbm>> -> memref<32x1024xf32, #tpu.memory_space<hbm>>
    tpu.enqueue_dma source(%arg9 : memref<32x1024xf32, #tpu.memory_space<vmem>>) target(%dma_start3A_434 : memref<32x1024xf32, #tpu.memory_space<hbm>>) target_semaphore(%arg15 : memref<!tpu.dma_semaphore, #tpu.memory_space<semaphore_mem>>)
    %dma_wait3A_435 = arith.constant 480 : i32
    %dma_wait3A_436 = tpu.memref_slice %arg6[%dma_wait3A_435] : memref<512xi32, #tpu.memory_space<vmem>> -> memref<32xi32, #tpu.memory_space<vmem>>
    %dma_wait3A_437 = arith.constant 0 : i32
    %dma_wait3A_438 = arith.constant 0 : i32
    %dma_wait3A_439 = tpu.memref_slice %arg3[%dma_wait3A_437, %dma_wait3A_438] : memref<8192x1024xf32, #tpu.memory_space<hbm>> -> memref<8192x1024xf32, #tpu.memory_space<hbm>>
    tpu.wait_indirect_dma semaphore(%arg10 : memref<!tpu.dma_semaphore, #tpu.memory_space<semaphore_mem>>) src(%dma_wait3A_439 : memref<8192x1024xf32, #tpu.memory_space<hbm>>) dst(%arg7 : memref<32x1024xf32, #tpu.memory_space<vmem>>)
    %add3A_440 = arith.constant 480 : i32
    %add3A_441 = arith.addi %mul3A_139, %add3A_440 : i32
    %dma_start3A_442 = arith.constant 0 : i32
    %dma_start3A_443 = tpu.memref_slice %arg4[%add3A_441, %dma_start3A_442] : memref<16384x1024xf32, #tpu.memory_space<hbm>> -> memref<32x1024xf32, #tpu.memory_space<hbm>>
    %dma_start3A_444 = arith.constant 0 : i32
    %dma_start3A_445 = tpu.memref_slice %arg4[%add3A_441, %dma_start3A_444] : memref<16384x1024xf32, #tpu.memory_space<hbm>> -> memref<32x1024xf32, #tpu.memory_space<hbm>>
    tpu.enqueue_dma source(%arg7 : memref<32x1024xf32, #tpu.memory_space<vmem>>) target(%dma_start3A_445 : memref<32x1024xf32, #tpu.memory_space<hbm>>) target_semaphore(%arg13 : memref<!tpu.dma_semaphore, #tpu.memory_space<semaphore_mem>>)
    %dma_wait3A_446 = arith.constant 0 : i32
    %dma_wait3A_447 = tpu.memref_slice %arg4[%add3A_419, %dma_wait3A_446] : memref<16384x1024xf32, #tpu.memory_space<hbm>> -> memref<32x1024xf32, #tpu.memory_space<hbm>>
    %dma_wait3A_448 = arith.constant 0 : i32
    %dma_wait3A_449 = tpu.memref_slice %arg4[%add3A_419, %dma_wait3A_448] : memref<16384x1024xf32, #tpu.memory_space<hbm>> -> memref<32x1024xf32, #tpu.memory_space<hbm>>
    tpu.wait_dma2 semaphore(%arg14 : memref<!tpu.dma_semaphore, #tpu.memory_space<semaphore_mem>>) src(%arg8 : memref<32x1024xf32, #tpu.memory_space<vmem>>) dst(%dma_wait3A_449 : memref<32x1024xf32, #tpu.memory_space<hbm>>)
    %dma_wait3A_450 = arith.constant 0 : i32
    %dma_wait3A_451 = tpu.memref_slice %arg4[%add3A_430, %dma_wait3A_450] : memref<16384x1024xf32, #tpu.memory_space<hbm>> -> memref<32x1024xf32, #tpu.memory_space<hbm>>
    %dma_wait3A_452 = arith.constant 0 : i32
    %dma_wait3A_453 = tpu.memref_slice %arg4[%add3A_430, %dma_wait3A_452] : memref<16384x1024xf32, #tpu.memory_space<hbm>> -> memref<32x1024xf32, #tpu.memory_space<hbm>>
    tpu.wait_dma2 semaphore(%arg15 : memref<!tpu.dma_semaphore, #tpu.memory_space<semaphore_mem>>) src(%arg9 : memref<32x1024xf32, #tpu.memory_space<vmem>>) dst(%dma_wait3A_453 : memref<32x1024xf32, #tpu.memory_space<hbm>>)
    %dma_wait3A_454 = arith.constant 0 : i32
    %dma_wait3A_455 = tpu.memref_slice %arg4[%add3A_441, %dma_wait3A_454] : memref<16384x1024xf32, #tpu.memory_space<hbm>> -> memref<32x1024xf32, #tpu.memory_space<hbm>>
    %dma_wait3A_456 = arith.constant 0 : i32
    %dma_wait3A_457 = tpu.memref_slice %arg4[%add3A_441, %dma_wait3A_456] : memref<16384x1024xf32, #tpu.memory_space<hbm>> -> memref<32x1024xf32, #tpu.memory_space<hbm>>
    tpu.wait_dma2 semaphore(%arg13 : memref<!tpu.dma_semaphore, #tpu.memory_space<semaphore_mem>>) src(%arg7 : memref<32x1024xf32, #tpu.memory_space<vmem>>) dst(%dma_wait3A_457 : memref<32x1024xf32, #tpu.memory_space<hbm>>)
    return
  }
}

</mosaic_0001>

<sc_bundles>
// kernel: kernel.3.cloned.1.call-start
scs
__scs_entry_jumppad:
0x0: {  	(pc) =	sbr.rel $0x88, $3  }
0x1: {  	(tag) =	ssettag $0x0;
	lr =	simm.s32 $0x1  }
0x2: {  	[smem:$0x3F9F] =	sst lr;
	_ =	strace $0xD0000000  }
0x3: {  	_ = 	snop  }
0x4: {  	_ = 	snop  }
0x5: {  	_ = 	snop  }
0x6: {  	_ = 	snop  }
0x7: {  	_ = 	snop  }
__scs_overlays_trampoline_lowered:
0x8: {  	[smem:$0x3FAE] =	sst s0  }
0x9: {  	[smem:$0x3FAF] =	sst s1  }
0xa: {  	[smem:$0x3FB0] =	sst s2  }
0xb: {  	[smem:$0x3FB1] =	sst s3  }
0xc: {  	[smem:$0x3FB2] =	sst s4  }
0xd: {  	[smem:$0x3FB3] =	sst s5  }
0xe: {  	[smem:$0x3FB4] =	sst s6  }
0xf: {  	[smem:$0x3FB5] =	sst s7  }
0x10: {  	[smem:$0x3FB6] =	sst s8  }
0x11: {  	[smem:$0x3FB7] =	sst s9;
	s0 =	simm.s32 @!p0 $0x0  }
0x12: {  	s1 =	sld [smem:$0x3F9D];
	s0 =	simm.s32 @p0 $0x1  }
0x13: {  	[smem:$0x3FB8] =	sst s0;
	s0 =	simm.s32 @!p1 $0x0  }
0x14: {  	s2 =	sld [smem:$0x3F9C];
	s0 =	simm.s32 @p1 $0x1  }
0x15: {  	[smem:$0x3FB9] =	sst s0;
	s0 =	simm.s32 @!p2 $0x0  }
0x16: {  	s3 =	sld [smem:$0x3FDB];
	s0 =	simm.s32 @p2 $0x1  }
0x17: {  	s4 =	simm.s32 $0x1BF5;
	[smem:$0x3FBB] =	sst s0  }
0x18: {  	s0 =	sld [smem:$0x3F9E];
	_ =	swait.ge [sflag:s4], $0x0  }
0x19: {  	s7 =	sld [smem:$0x3F9F]  }
0x1a: {  	s8 =	sadd.s32 $0xFFFFE003, lr  }
0x1b: {  	s9 =	sadd.s32 $0xFFFFFEF7, lr;
	s5 =	simm.s32 $0xFFFFFFFF;
	p2 =	slt.u32 s8, $0xFFFFF086  }
0x1c: {  	p1 =	slt.u32 s9, $0xF7A;
	s5 =	simm.s32 @!p2 $0x0  }
0x1d: {  	s5 =	simm.s32 @p1 $0x1;
	p0 =	seq.s32 s7, s2  }
0x1e: {  	s7 =	smul.u32 @!p0 $0xF7A, s2;
	p2 =	seq.s32 @!p0 s5, $0x0  }
0x1f: {  	s9 =	smul.u32 $0xF7A, s1;
	s8 =	simm.s32 @!p0 $0x1BF5;
	p2 =	por !p2, p0  }
0x20: {  	[sflag:s8] =	ssyncset.s32 @!p0 $0xFFFFF086;
	s6 =	sadd.s32 @!p0 s3, s7;
	s7 =	simm.s32 @!p0 $0x108  }
0x21: {  	s3 =	sadd.s32 s3, s9;
	s6 =	sadd.s32 @!p0 $0x88, s6;
	s7 =	simm.s32 @p2 $0x1082  }
0x22: {  	[simem:s7], [sflag:s8] =	dma.local @!p0 [hbm:s6], $0xF7A  }
0x23: {  	s9 =	sor.u32 $0xD0000000, s2;
	s6 =	simm.s32 $0x108;
	_ =	swait.ge @!p0 [sflag:s8], $0x0  }
0x24: {  	s3 =	sadd.s32 $0x88, s3;
	s6 =	simm.s32 @!p1 $0x1082;
	[sflag:s4] =	ssyncset.s32 $0xFFFFF086  }
0x25: {  	[simem:s6], [sflag:s4] =	dma.local [hbm:s3], $0xF7A  }
0x26: {  	[smem:$0x3F9F] =	sst s1;
	(tag) =	ssettag s2;
	_ =	strace s9  }
0x27: {  	s1 =	sld [smem:$0x3FAF]  }
0x28: {  	s2 =	sld [smem:$0x3FB0]  }
0x29: {  	s4 =	sld [smem:$0x3FB2]  }
0x2a: {  	p0 =	seq.s32 s5, $0x0;
	s5 =	sld [smem:$0x3FB3]  }
0x2b: {  	s6 =	sld [smem:$0x3FB4]  }
0x2c: {  	s7 =	sld [smem:$0x3FB5]  }
0x2d: {  	s3 =	simm.s32 $0x108;
	s8 =	sld [smem:$0x3FB6]  }
0x2e: {  	s3 =	simm.s32 @!p0 $0x1082;
	s9 =	sld [smem:$0x3FB7]  }
0x2f: {  	lr =	sadd.s32 s0, s3;
	s0 =	sld [smem:$0x3FAE]  }
0x30: {  	s3 =	sld [smem:$0x3FB1]  }
0x31: {  	[smem:$0x3FBA] =	sst s10  }
0x32: {  	s10 =	sld [smem:$0x3FB8];
	_ =	sdelay $0x3  }
0x33: {  	p0 =	seq.s32 s10, $0x1;
	s10 =	sld [smem:$0x3FBA];
	_ =	sdelay $0x3  }
0x34: {  	[smem:$0x3FBA] =	sst s10  }
0x35: {  	s10 =	sld [smem:$0x3FB9];
	_ =	sdelay $0x3  }
0x36: {  	p1 =	seq.s32 s10, $0x1;
	s10 =	sld [smem:$0x3FBA];
	_ =	sdelay $0x3  }
0x37: {  	[smem:$0x3FBA] =	sst s10  }
0x38: {  	s10 =	sld [smem:$0x3FBB]  }
0x39: {  	_ = 	snop;
	(pc) =	sbr.ind lr, $3  }
0x3a: {  	_ = 	snop  }
0x3b: {  	_ = 	snop  }
0x3c: {  	p2 =	seq.s32 s10, $0x1;
	s10 =	sld [smem:$0x3FBA]  }
0x3d: {  	_ =	shalt  }
0x3e: {  	_ =	shalt  }
0x3f: {  	_ =	shalt  }
0x40: {  	_ =	shalt  }
0x41: {  	_ =	shalt  }
0x42: {  	_ =	shalt  }
0x43: {  	_ =	shalt  }
0x44: {  	_ =	shalt  }
0x45: {  	_ =	shalt  }
0x46: {  	_ =	shalt  }
0x47: {  	_ =	shalt  }
0x48: {  	_ =	shalt  }
0x49: {  	_ =	shalt  }
0x4a: {  	_ =	shalt  }
0x4b: {  	_ =	shalt  }
0x4c: {  	_ =	shalt  }
0x4d: {  	_ =	shalt  }
0x4e: {  	_ =	shalt  }
0x4f: {  	_ =	shalt  }
0x50: {  	_ =	shalt  }
0x51: {  	_ =	shalt  }
0x52: {  	_ =	shalt  }
0x53: {  	_ =	shalt  }
0x54: {  	_ =	shalt  }
0x55: {  	_ =	shalt  }
0x56: {  	_ =	shalt  }
0x57: {  	_ =	shalt  }
0x58: {  	_ =	shalt  }
0x59: {  	_ =	shalt  }
0x5a: {  	_ =	shalt  }
0x5b: {  	_ =	shalt  }
0x5c: {  	_ =	shalt  }
0x5d: {  	_ =	shalt  }
0x5e: {  	_ =	shalt  }
0x5f: {  	_ =	shalt  }
0x60: {  	_ =	shalt  }
0x61: {  	_ =	shalt  }
0x62: {  	_ =	shalt  }
0x63: {  	_ =	shalt  }
0x64: {  	_ =	shalt  }
0x65: {  	_ =	shalt  }
0x66: {  	_ =	shalt  }
0x67: {  	_ =	shalt  }
0x68: {  	_ =	shalt  }
0x69: {  	_ =	shalt  }
0x6a: {  	_ =	shalt  }
0x6b: {  	_ =	shalt  }
0x6c: {  	_ =	shalt  }
0x6d: {  	_ =	shalt  }
0x6e: {  	_ =	shalt  }
0x6f: {  	_ =	shalt  }
0x70: {  	_ =	shalt  }
0x71: {  	_ =	shalt  }
0x72: {  	_ =	shalt  }
0x73: {  	_ =	shalt  }
0x74: {  	_ =	shalt  }
0x75: {  	_ =	shalt  }
0x76: {  	_ =	shalt  }
0x77: {  	_ =	shalt  }
0x78: {  	_ =	shalt  }
0x79: {  	_ =	shalt  }
0x7a: {  	_ =	shalt  }
0x7b: {  	_ =	shalt  }
0x7c: {  	_ =	shalt  }
0x7d: {  	_ =	shalt  }
0x7e: {  	_ =	shalt  }
0x7f: {  	_ =	shalt  }
0x80: {  	_ =	shalt  }
0x81: {  	_ =	shalt  }
0x82: {  	_ =	shalt  }
0x83: {  	_ =	shalt  }
0x84: {  	_ =	shalt  }
0x85: {  	_ =	shalt  }
0x86: {  	_ =	shalt  }
0x87: {  	_ =	shalt  }
.Lfunc_end0:
.L_simem_size_0:
called_computation_lowered:
.L_overlay_start_0:
0x88: {  	s2 =	sld [smem:$0x3FD9]  }
0x89: {  	s3 =	sld [smem:$0x3FFE];
	_ =	sdelay $0x1  }
0x8a: {  	s1 =	srdreg.scid  }
0x8b: {  	s0 =	sand.u32 $0x1, s1  }
0x8c: {  	s17 =	sshll.u32 s0, $0xA;
	s2 =	sadd.s32 s3, s2  }
0x8d: {  	s2 =	sadd.s32 s2, s17  }
0x8e: {  	[smem:$0x3FC6] =	sst s2  }
0x8f: {  	_ = 	snop  }
0x90: {  	s2 =	sld [smem:$0x3FC8]  }
0x91: {  	s18 =	sld [smem:$0x3FD0];
	(tm) =	ssettm $0x1  }
0x92: {  	s4 =	sld [smem:$0x3FFB];
	_ =	sdelay $0x3  }
0x93: {  	_ =	strace s4  }
0x94: {  	s4 =	sld [smem:$0x3FFC];
	_ =	sdelay $0x3  }
0x95: {  	_ =	strace s4  }
0x96: {  	s4 =	sld [smem:$0x3FFD];
	_ =	sdelay $0x3  }
0x97: {  	_ =	strace s4  }
0x98: {  	_ =	strace $0x8FFFFFFF  }
0x99: {  	s19 =	sld [smem:$0x3FDB];
	_ =	sdelay $0x1  }
0x9a: {  	s5 =	simm.s32 $_scs_section_size  }
0x9b: {  	s6 =	simm.s32 $_size__tile_overlayer_lowered;
	s7 =	simm.s32 $_tile_overlayer_lowered  }
0x9c: {  	s22 =	simm.s32 $0x1BFF;
	s21 =	sshll.u32 s7, $0x1;
	s4 =	sadd.s32 s5, s19  }
0x9d: {  	s8 =	simm.s32 $0x0;
	s20 =	sshll.u32 s6, $0x1;
	s6 =	sadd.s32 s21, s4  }
0x9e: {  	[timem:s8], [sflag:s22] =	dma.local [hbm:s6], s20  }
0x9f: {  	_ =	swait.ge [sflag:s22], s20  }
0xa0: {  	s5 =	ssub.s32 $0x0, s20;
	[sflag:s22] =	ssyncset.done $0x0  }
0xa1: {  	[sflag:s22] =	ssyncadd.s32 s5;
	_ =	sdelay $0x1  }
0xa2: {  	s23 =	simm.s32 $0x1B8B  }
0xa3: {  	_ =	swait.ge [sflag:s23], $0x1  }
0xa4: {  	[sflag:s23] =	ssyncset.done $0x0  }
0xa5: {  	s25 =	simm.s32 $0x1B8E;
	s24 =	sld [smem:$0x3FFE];
	[sflag:s23] =	ssyncadd.s32 $0xFFFFFFFF  }
0xa6: {  	s26 =	simm.s32 $execute0_lowered;
	[smem:$0x3FD2] =	sst s25  }
0xa7: {  	s6 =	sshll.u32 s26, $0x1;
	_ =	strace $0x80000046;
	[dreg:$0x1] =	wrdreg $0xFFFFFFFF  }
0xa8: {  	s28 =	simm.s32 $_size_execute0_lowered;
	s4 =	sadd.s32 s4, s6;
	[dreg:$0x0] =	wrdreg $0x0  }
0xa9: {  	s6 =	sshll.u32 s28, $0x1;
	[dreg:$0x2] =	wrdreg s4  }
0xaa: {  	[dreg:$0x3] =	wrdreg s6  }
0xab: {  	[dreg:$0x4] =	wrdreg $0xC0  }
0xac: {  	_ =	task [dreg:s8], $0x5FFFF  }
0xad: {  	[dreg:$0x1] =	wrdreg $0xFFFFFFFF  }
0xae: {  	[dreg:$0x0] =	wrdreg $0x60  }
0xaf: {  	[dreg:$0x2] =	wrdreg s24  }
0xb0: {  	[dreg:$0x3] =	wrdreg s2  }
0xb1: {  	[dreg:$0x4] =	wrdreg s18  }
0xb2: {  	[dreg:$0x5] =	wrdreg $0x9  }
0xb3: {  	_ =	task.clear_ibuf [dreg:s8], $0x6FFFF;
	_ =	strace $0x90000046  }
0xb4: {  	s29 =	simm.s32 $0x9;
	_ =	strace $0x80000048  }
0xb5: {  	_ =	swait.ge [sflag:s29], $0x1  }
0xb6: {  	[sflag:s29] =	ssyncadd.s32 $0xFFFFFFFF  }
0xb7: {  	_ =	strace $0x90000048  }
0xb8: {  	_ =	sfence  }
0xb9: {  	s30 =	sld [smem:$0x0];
	_ =	sdelay $0x2  }
0xba: {  	s31 =	sshll.u32 s1, $0xD;
	s1 =	sshrl.u32 s1, $0x2  }
0xbb: {  	s3 =	sand.u32 $0x4000, s31;
	s1 =	sadd.s32 s1, s30  }
0xbc: {  	s0 =	sor.u32 s3, s0;
	s1 =	sshll.u32 s1, $0x11  }
0xbd: {  	s0 =	sor.u32 s1, s0  }
0xbe: {  	s0 =	sadd.s32 $0x8F2B, s0  }
0xbf: {  	[sflag:s0] =	ssyncadd.remote.s32 $0x1  }
0xc0: {  	_ =	sfence.sel $0xFFFF  }
0xc1: {  	[dreg:$0x0] =	wrdreg $0xFFFFFFFF;
	(pc) =	sbr.abs _section_cstart, $3  }
0xc2: {  	[dreg:$0x1] =	wrdreg $0xFFFFFFFF  }
0xc3: {  	_ =	task.clear_ibuf [dreg:s8], $0x2FFFF;
	_ =	strace $0x9FFFFFFF  }
0xc4: {  	(tm) =	ssettm $0x7FFFFFFF  }
0xc5: {  	_ =	shalt  }
tec
execute0_lowered:
.L_overlay_start_1:
0x0: {  	(tag) =	ssettag $0x1  }
0x1: {  	s0 =	rddreg [dreg:$0x0]  }
0x2: {  	s1 =	rddreg [dreg:$0x1]  }
0x3: {  	s2 =	rddreg [dreg:$0x2];
	s3 =	simm.s32 $0x0;
	s6 =	stileid.u32  }
0x4: {  	s4 =	srdreg.scid;
	[smem:$0x7FF] =	sst s3  }
0x5: {  	s5 =	sshrl.u32 s6, $0x2;
	s4 =	sand.u32 $0x1, s4;
	s6 =	sshll.u32 s6, $0x1  }
0x6: {  	s7 =	ssub.s32 $0x2, s4;
	s8 =	sshll.u32 s5, $0x3;
	s5 =	sshll.u32 s5, $0x9  }
0x7: {  	_ =	strace $0x80000047;
	s14 =	sshrl.u32 s7, $0x1;
	s0 =	sadd.s32 s5, s0  }
0x8: {  	s4 =	sor.u32 s4, s6;
	s11 =	ssub.s32 s7, s14;
	s0 =	sadd.s32 $0x400, s0  }
0x9: {  	s16 =	sshll.u32 s4, $0x10;
	[dreg:$0x4] =	wrdreg s0;
	s31 =	smax.u32 s11, $0x1  }
0xa: {  	s0 =	sadd.s32 s2, s16;
	[dreg:$0x15] =	wrdreg s31  }
0xb: {  	v0 =	vimm.s32 $0xEDCBA987;
	s2 =	sadd.s32 $0x1000, s0;
	[dreg:$0x5] =	wrdreg s0  }
0xc: {  	v1 =	vimm.s32 $0x65432100;
	v0 =	vunpack.c.l.s4.s8 v0;
	s17 =	sadd.s32 $0x2000, s0;
	[dreg:$0x6] =	wrdreg s2  }
0xd: {  	v1 =	vunpack.c.l.s4.s8 v1;
	s18 =	sadd.s32 $0x3000, s0;
	[dreg:$0x7] =	wrdreg s17  }
0xe: {  	v0 =	vunpack.c.0.s8.s32 v0;
	s19 =	sadd.s32 $0x4000, s0;
	[dreg:$0x8] =	wrdreg s18  }
0xf: {  	v2 =	vimm.s32 $0xDCBA9876;
	v1 =	vunpack.c.0.s8.s32 v1;
	s20 =	sadd.s32 $0x5000, s0;
	[dreg:$0x9] =	wrdreg s19  }
0x10: {  	vm0 =	vcmask $0x300;
	v5 =	vimm.s32 $0xFFFFFFFF;
	s29 =	simm.s32 $0x11200;
	v0 =	vand.u32 $0xF, v0;
	s21 =	sadd.s32 $0x6000, s0;
	[dreg:$0xa] =	wrdreg s20  }
0x11: {  	v7 =	vimm.s32 $0xE40000;
	s9 =	sadd.s32 $0x300, s1;
	s22 =	sadd.s32 $0x7000, s0;
	v0 =	vcombine.low v1, v0;
	v1 =	vunpack.c.l.s4.s8 v2;
	[dreg:$0xb] =	wrdreg s21  }
0x12: {  	v4 =	vimm.s32 $0x32100000;
	v11 =	vlaneseq.u32;
	v7 =	vunpack.c.l.s2.s4 v7;
	s6 =	sadd.s32 $0x100, s1;
	s23 =	sadd.s32 $0x8000, s0;
	[dreg:$0xc] =	wrdreg s22  }
0x13: {  	vm1 =	vcmask $0x3F30;
	s10 =	ssub.s32 s4, s8;
	s24 =	sadd.s32 $0x9000, s0;
	[dreg:$0xd] =	wrdreg s23;
	v3 =	vunpack.c.0.s8.s32 v1;
	v1 =	vimm.s32 $0xBA987654  }
0x14: {  	v8 =	vimm.s32 $0xF;
	p0 =	sne.s32 s4, s8;
	v7 =	vunpack.c.l.s4.s8 v7;
	s25 =	sadd.s32 $0xA000, s0;
	[dreg:$0xe] =	wrdreg s24;
	v6 =	vunpack.c.l.s4.s8 v1  }
0x15: {  	v4 =	vunpack.c.l.s4.s8 v4;
	v10 =	vshrl.u32 v11, $0x3;
	v9 =	vand.u32 $0x7, v11;
	s8 =	simm.s32 $0x6;
	s12 =	sadd.s32 $0xB000, s0;
	[dreg:$0xf] =	wrdreg s25  }
0x16: {  	s4 =	simm.s32 $0x0;
	v7 =	vunpack.c.0.s8.s32 v7;
	s26 =	sadd.s32 $0xC000, s0;
	v2 =	vimm.s32 $0x54321000;
	[dreg:$0x11] =	wrdreg s12;
	v6 =	vunpack.c.0.s8.s32 v6  }
0x17: {  	v11 =	vor.u32 $0x8, v11;
	v4 =	vunpack.c.0.s8.s32 v4;
	s15 =	sshll.u32 s10, $0xB;
	s28 =	sadd.s32 $0xD000, s0;
	[dreg:$0x12] =	wrdreg s26;
	v2 =	vunpack.c.l.s4.s8 v2  }
0x18: {  	s7 =	sadd.s32 $0x200, s1;
	s30 =	sadd.s32 $0xE000, s0;
	[dreg:$0x13] =	wrdreg s28;
	v7 =	vand.u32 $0x3, v7;
	v1 =	vsel vm0, $0x0, v5;
	v6 =	vand.u32 $0xF, v6  }
0x19: {  	s5 =	sshra.s32 s15, $0x2;
	s0 =	sadd.s32 $0xF000, s0;
	[dreg:$0x14] =	wrdreg s30;
	v2 =	vunpack.c.0.s8.s32 v2;
	v4 =	vcombine.low v4, v6;
	v6 =	vimm.s32 $0x7060504  }
0x1a: {  	s2 =	sshll.u32 s10, $0x5;
	[dreg:$0x16] =	wrdreg s0;
	s23 =	simm.s32 $0x1;
	vm0 =	vcmask $0x700;
	v3 =	vand.u32 $0xF, v3;
	v6 =	vunpack.c.0.s8.s32 v6  }
0x1b: {  	s24 =	simm.s32 $0x4;
	s25 =	simm.s32 $0x2;
	p1 =	sgt.s32 s2, $0x1;
	v2 =	vcombine.low v2, v3;
	v3 =	vsel vm0, $0x0, v5;
	vm0 =	vcmask $0xF00  }
0x1c: {  	s26 =	simm.s32 $0x5;
	s20 =	simm.s32 $0x3;
	s2 =	simm.s32 @!p1 $0x1;
	v5 =	vsel vm0, $0x0, v5;
	vm0 =	vcmask @!p0 $0x300;
	v6 =	vsel vm1, v6, v7  }
0x1d: {  	s22 =	simm.s32 $0x1200;
	p1 =	slt.s32 s10, $0x1;
	[dreg:$0x10] =	wrdreg s2;
	v7 =	vmul.u32 $0xFFFFFFFF, v10;
	v10 =	vmul.u32 $0x8, v10;
	vm1 =	vmmov $0xffff  }
.LBB2_1:
.Ltmp0:
0x1e: {  	s0 =	rddreg [dreg:$0x4];
	s31 =	simm.s32 $0x7;
	(pc) =	sbr.rel @p1 .LBB2_5-.Ltmp0, $4  }
0x1f: {  	[tilespmem:s3], [sflag:$0x7] =	stream.linear.gather [hbm4b:s0+s3], $0x1000, $0x38;
	[tilespmem:$0x19200] =	vst v63  }
0x20: {  	_ =	swait.ge [sflag:s31], $0x1000  }
0x21: {  	[sflag:s31] =	ssyncset.done $0x0  }
0x22: {  	v12 =	vimm.s32 $0x0;
	[sflag:s31] =	ssyncadd.s32 $0xFFFFF000  }
0x23: {  	s0 =	rddreg [dreg:$0x10]  }
0x24: {  	v13 =	vld [tilespmem:s3+$0x0];
	p2 =	sne.s32 s0, $0x1  }
.Ltmp1:
0x25: {  	_ = 	snop;
	(pc) =	sbr.rel @!p2 .LBB2_4-.Ltmp1, $2  }
0x26: {  	_ =	sdelay $0x2  }
0x27: {  	s30 =	sadd.s32 $0x10, s3;
	s0 =	sadd.s32 $0xFFFFFFFF, s0;
	vm2 =	vlt.s32 v13, $0x1  }
.LBB2_3:
0x28: {  	p2 =	sne.s32 s0, $0x1;
	s0 =	sadd.s32 $0xFFFFFFFF, s0;
	v14 =	vnsel vm2, $0x1, v13;
	v13 =	vld [tilespmem:s30+$0x0]  }
.Ltmp2:
0x29: {  	v12 =	vadd.s32 v12, v14;
	(pc) =	sbr.rel @p2 .LBB2_3-.Ltmp2, $2  }
0x2a: {  	_ =	sdelay $0x2  }
0x2b: {  	s30 =	sadd.s32 $0x10, s30;
	vm2 =	vlt.s32 v13, $0x1  }
.LBB2_4:
0x2c: {  	v13 =	vnsel vm2, $0x1, v13  }
0x2d: {  	v12 =	vadd.s32 v12, v13  }
.LBB2_5:
0x2e: {  	s0 =	simm.s32 $0x0  }
0x2f: {  	s2 =	sand.u32 $0x180, s0  }
0x30: {  	s0 =	sand.u32 $0x70, s0;
	s2 =	sadd.s32 s2, s5  }
0x31: {  	s0 =	sadd.s32 s0, s2  }
0x32: {  	v13 =	vld [tilespmem:s0+$0x0];
	_ =	sdelay $0x3  }
0x33: {  	v14 =	vperm.xlane v12, v0  }
0x34: {  	vm2 =	vlt.s32 v13, $0x1  }
0x35: {  	v14 =	vand.u32 v1, v14;
	v13 =	vnsel vm2, $0x1, v13  }
0x36: {  	v12 =	vadd.s32 v12, v14;
	v14 =	vperm.xlane v13, v0  }
0x37: {  	v15 =	vperm.xlane v12, v2  }
0x38: {  	v14 =	vand.u32 v1, v14  }
0x39: {  	v15 =	vand.u32 v3, v15;
	v14 =	vadd.s32 v13, v14  }
0x3a: {  	v12 =	vadd.s32 v15, v12;
	v15 =	vperm.xlane v14, v2  }
0x3b: {  	v16 =	vperm.xlane v12, v4  }
0x3c: {  	v15 =	vand.u32 v3, v15  }
0x3d: {  	v16 =	vand.u32 v5, v16;
	v14 =	vadd.s32 v15, v14  }
0x3e: {  	v12 =	vadd.s32 v16, v12;
	v15 =	vperm.xlane v14, v4  }
0x3f: {  	v16 =	vperm.xlane v12, v6  }
0x40: {  	v15 =	vand.u32 v5, v15  }
0x41: {  	v14 =	vadd.s32 v15, v14;
	v15 =	vand.u32 v7, v16  }
0x42: {  	v12 =	vadd.s32 v15, v12;
	v15 =	vperm.xlane v14, v6  }
0x43: {  	v12 =	vperm.xlane v12, v8  }
0x44: {  	v15 =	vand.u32 v7, v15  }
0x45: {  	v12 =	vadd.s32 v12, v15  }
0x46: {  	s31 =	simm.s32 $0x10;
	v12 =	vadd.s32 v14, v12  }
0x47: {  	s30 =	simm.s32 $0x1000;
	s2 =	sand.u32 $0x180, s31;
	s0 =	simm.s32 $0x20;
	v13 =	vmul.u32 v13, v12;
	v12 =	vperm.xlane v12, v8  }
.LBB2_6:
0x48: {  	p2 =	sne.s32 s0, $0x1F0;
	s31 =	sand.u32 $0x70, s31;
	s2 =	sadd.s32 s2, s5  }
0x49: {  	s2 =	sadd.s32 s31, s2;
	[tilespmem:s30+$0x0] =	vst v13;
	s31 =	smov.u32 s0  }
0x4a: {  	v13 =	vld [tilespmem:s2+$0x0];
	_ =	sdelay $0x4  }
0x4b: {  	vm2 =	vlt.s32 v13, $0x1  }
0x4c: {  	v13 =	vnsel vm2, $0x1, v13  }
0x4d: {  	v14 =	vperm.xlane v13, v0;
	_ =	sdelay $0x1  }
0x4e: {  	v14 =	vand.u32 v1, v14  }
0x4f: {  	v14 =	vadd.s32 v13, v14  }
0x50: {  	v15 =	vperm.xlane v14, v2;
	_ =	sdelay $0x1  }
0x51: {  	v15 =	vand.u32 v3, v15  }
0x52: {  	v14 =	vadd.s32 v15, v14  }
0x53: {  	v15 =	vperm.xlane v14, v4;
	_ =	sdelay $0x1  }
0x54: {  	v15 =	vand.u32 v5, v15  }
0x55: {  	v14 =	vadd.s32 v15, v14  }
0x56: {  	v15 =	vperm.xlane v14, v6  }
.Ltmp3:
0x57: {  	(pc) =	sbr.rel @p2 .LBB2_6-.Ltmp3, $4  }
0x58: {  	v15 =	vand.u32 v7, v15  }
0x59: {  	v12 =	vadd.s32 v12, v15  }
0x5a: {  	v12 =	vadd.s32 v14, v12  }
0x5b: {  	s0 =	sadd.s32 $0x10, s0;
	s30 =	sadd.s32 $0x10, s30;
	s2 =	sand.u32 $0x180, s31;
	v13 =	vmul.u32 v13, v12;
	v12 =	vperm.xlane v12, v8  }
0x5c: {  	s0 =	sand.u32 $0x70, s31;
	s2 =	sadd.s32 s2, s5  }
0x5d: {  	s0 =	sadd.s32 s0, s2;
	[tilespmem:s30+$0x0] =	vst v13  }
0x5e: {  	v13 =	vld [tilespmem:s0+$0x0];
	_ =	sdelay $0x4  }
0x5f: {  	vm2 =	vlt.s32 v13, $0x1  }
0x60: {  	v13 =	vnsel vm2, $0x1, v13  }
0x61: {  	v14 =	vperm.xlane v13, v0;
	_ =	sdelay $0x1  }
0x62: {  	v14 =	vand.u32 v1, v14  }
0x63: {  	v14 =	vadd.s32 v13, v14  }
0x64: {  	v15 =	vperm.xlane v14, v2;
	_ =	sdelay $0x1  }
0x65: {  	v15 =	vand.u32 v3, v15  }
0x66: {  	v14 =	vadd.s32 v15, v14  }
0x67: {  	v15 =	vperm.xlane v14, v4;
	_ =	sdelay $0x1  }
0x68: {  	v15 =	vand.u32 v5, v15  }
0x69: {  	v14 =	vadd.s32 v15, v14  }
0x6a: {  	v15 =	vperm.xlane v14, v6;
	_ =	sdelay $0x1  }
0x6b: {  	v15 =	vand.u32 v7, v15  }
0x6c: {  	v12 =	vadd.s32 v12, v15  }
0x6d: {  	v12 =	vadd.s32 v14, v12  }
0x6e: {  	v12 =	vmul.u32 v13, v12  }
0x6f: {  	s15 =	sadd.s32 $0x10, s30  }
0x70: {  	[tilespmem:s15+$0x0] =	vst v12  }
0x71: {  	v12 =	vld @!p0 [tilespmem:$0x1000];
	_ =	sdelay $0x3  }
0x72: {  	v13 =	vimm.s32 @!p0 $0x0  }
0x73: {  	v13 =	vsel @!p0 vm0, $0xFFFFFFFF, v13;
	v14 =	vsub.s32 @!p0 $0x1, v12  }
0x74: {  	v13 =	vand.u32 @!p0 v13, v14  }
0x75: {  	v12 =	vadd.s32 @!p0 v12, v13  }
0x76: {  	[tilespmem:$0x1000] =	vst @!p0 v12  }
0x77: {  	v12 =	vld [tilespmem:$0x1000];
	_ =	sdelay $0x4  }
0x78: {  	v19 =	vshll.u32 v12, $0x3  }
0x79: {  	v12 =	vand.u32 $0x7, v12;
	v13 =	vand.u32 $0xFFFFFFC0, v19  }
0x7a: {  	v12 =	vor.u32 v12, v13  }
0x7b: {  	v13 =	vperm.xlane v12, v9;
	_ =	sdelay $0x1  }
0x7c: {  	v13 =	vadd.s32 v10, v13;
	_ =	sdelay $0x4  }
0x7d: {  	[tilespmem:s22], [sflag:$0x1] =	stream.indirect_vreg.gather [hbm4b:s1+s3], $0x80, v13, vm1, $0xb8;
	[tilespmem:$0x19200] =	vst v63  }
0x7e: {  	s16 =	simm.s32 $0x1A00;
	v12 =	vperm.xlane v12, v11  }
0x7f: {  	[tilespmem:s16], [sflag:$0x1] =	stream.indirect_vreg.gather [hbm4b:s6+s3], $0x80, v13, vm1, $0xb8;
	[tilespmem:$0x19200] =	vst v63  }
0x80: {  	s17 =	simm.s32 $0x2200;
	v12 =	vadd.s32 v10, v12  }
0x81: {  	[tilespmem:s17], [sflag:$0x1] =	stream.indirect_vreg.gather [hbm4b:s7+s3], $0x80, v13, vm1, $0xb8;
	[tilespmem:$0x19200] =	vst v63  }
0x82: {  	s18 =	simm.s32 $0x2A00  }
0x83: {  	[tilespmem:s18], [sflag:$0x1] =	stream.indirect_vreg.gather [hbm4b:s9+s3], $0x80, v13, vm1, $0xb8;
	[tilespmem:$0x19200] =	vst v63  }
0x84: {  	s21 =	simm.s32 $0x3200  }
0x85: {  	[tilespmem:s21], [sflag:$0x1] =	stream.indirect_vreg.gather [hbm4b:s1+s3], $0x80, v12, vm1, $0xb8;
	[tilespmem:$0x19200] =	vst v63  }
0x86: {  	s28 =	simm.s32 $0x3A00  }
0x87: {  	[tilespmem:s28], [sflag:$0x1] =	stream.indirect_vreg.gather [hbm4b:s6+s3], $0x80, v12, vm1, $0xb8;
	[tilespmem:$0x19200] =	vst v63  }
0x88: {  	s2 =	simm.s32 $0x4200  }
0x89: {  	[tilespmem:s2], [sflag:$0x1] =	stream.indirect_vreg.gather [hbm4b:s7+s3], $0x80, v12, vm1, $0xb8;
	[tilespmem:$0x19200] =	vst v63  }
0x8a: {  	s10 =	simm.s32 $0x4A00  }
0x8b: {  	[tilespmem:s10], [sflag:$0x1] =	stream.indirect_vreg.gather [hbm4b:s9+s3], $0x80, v12, vm1, $0xb8;
	[tilespmem:$0x19200] =	vst v63  }
0x8c: {  	v12 =	vld [tilespmem:$0x1010];
	_ =	sdelay $0x4  }
0x8d: {  	v20 =	vshll.u32 v12, $0x3  }
0x8e: {  	v12 =	vand.u32 $0x7, v12;
	v13 =	vand.u32 $0xFFFFFFC0, v20  }
0x8f: {  	v12 =	vor.u32 v12, v13  }
0x90: {  	v13 =	vperm.xlane v12, v9;
	_ =	sdelay $0x1  }
0x91: {  	v13 =	vadd.s32 v10, v13;
	_ =	sdelay $0x3  }
0x92: {  	s11 =	simm.s32 $0x5200  }
0x93: {  	[tilespmem:s11], [sflag:$0x1] =	stream.indirect_vreg.gather [hbm4b:s1+s3], $0x80, v13, vm1, $0xb8;
	[tilespmem:$0x19200] =	vst v63  }
0x94: {  	s14 =	simm.s32 $0x5A00;
	v12 =	vperm.xlane v12, v11  }
0x95: {  	[tilespmem:s14], [sflag:$0x1] =	stream.indirect_vreg.gather [hbm4b:s6+s3], $0x80, v13, vm1, $0xb8;
	[tilespmem:$0x19200] =	vst v63  }
0x96: {  	s15 =	simm.s32 $0x6200;
	v12 =	vadd.s32 v10, v12  }
0x97: {  	[tilespmem:s15], [sflag:$0x1] =	stream.indirect_vreg.gather [hbm4b:s7+s3], $0x80, v13, vm1, $0xb8;
	[tilespmem:$0x19200] =	vst v63  }
0x98: {  	s16 =	simm.s32 $0x6A00  }
0x99: {  	[tilespmem:s16], [sflag:$0x1] =	stream.indirect_vreg.gather [hbm4b:s9+s3], $0x80, v13, vm1, $0xb8;
	[tilespmem:$0x19200] =	vst v63  }
0x9a: {  	s17 =	simm.s32 $0x7200  }
0x9b: {  	[tilespmem:s17], [sflag:$0x1] =	stream.indirect_vreg.gather [hbm4b:s1+s3], $0x80, v12, vm1, $0xb8;
	[tilespmem:$0x19200] =	vst v63  }
0x9c: {  	s18 =	simm.s32 $0x7A00  }
0x9d: {  	[tilespmem:s18], [sflag:$0x1] =	stream.indirect_vreg.gather [hbm4b:s6+s3], $0x80, v12, vm1, $0xb8;
	[tilespmem:$0x19200] =	vst v63  }
0x9e: {  	s2 =	simm.s32 $0x8200  }
0x9f: {  	[tilespmem:s2], [sflag:$0x1] =	stream.indirect_vreg.gather [hbm4b:s7+s3], $0x80, v12, vm1, $0xb8;
	[tilespmem:$0x19200] =	vst v63  }
0xa0: {  	s11 =	simm.s32 $0x8A00  }
0xa1: {  	[tilespmem:s11], [sflag:$0x1] =	stream.indirect_vreg.gather [hbm4b:s9+s3], $0x80, v12, vm1, $0xb8;
	[tilespmem:$0x19200] =	vst v63  }
0xa2: {  	v12 =	vld [tilespmem:$0x1020];
	_ =	sdelay $0x4  }
0xa3: {  	v21 =	vshll.u32 v12, $0x3  }
0xa4: {  	v12 =	vand.u32 $0x7, v12;
	v13 =	vand.u32 $0xFFFFFFC0, v21  }
0xa5: {  	v12 =	vor.u32 v12, v13  }
0xa6: {  	v13 =	vperm.xlane v12, v9;
	_ =	sdelay $0x1  }
0xa7: {  	v13 =	vadd.s32 v10, v13;
	_ =	sdelay $0x3  }
0xa8: {  	s2 =	simm.s32 $0x9200  }
0xa9: {  	[tilespmem:s2], [sflag:$0x2] =	stream.indirect_vreg.gather [hbm4b:s1+s3], $0x80, v13, vm1, $0xb8;
	[tilespmem:$0x19200] =	vst v63  }
0xaa: {  	s0 =	simm.s32 $0x9A00;
	v12 =	vperm.xlane v12, v11  }
0xab: {  	[tilespmem:s0], [sflag:$0x2] =	stream.indirect_vreg.gather [hbm4b:s6+s3], $0x80, v13, vm1, $0xb8;
	[tilespmem:$0x19200] =	vst v63  }
0xac: {  	v12 =	vadd.s32 v10, v12;
	s0 =	simm.s32 $0xA200  }
0xad: {  	[tilespmem:s0], [sflag:$0x2] =	stream.indirect_vreg.gather [hbm4b:s7+s3], $0x80, v13, vm1, $0xb8;
	[tilespmem:$0x19200] =	vst v63  }
0xae: {  	s0 =	simm.s32 $0xAA00  }
0xaf: {  	[tilespmem:s0], [sflag:$0x2] =	stream.indirect_vreg.gather [hbm4b:s9+s3], $0x80, v13, vm1, $0xb8;
	[tilespmem:$0x19200] =	vst v63  }
0xb0: {  	s0 =	simm.s32 $0xB200  }
0xb1: {  	[tilespmem:s0], [sflag:$0x2] =	stream.indirect_vreg.gather [hbm4b:s1+s3], $0x80, v12, vm1, $0xb8;
	[tilespmem:$0x19200] =	vst v63  }
0xb2: {  	s0 =	simm.s32 $0xBA00  }
0xb3: {  	[tilespmem:s0], [sflag:$0x2] =	stream.indirect_vreg.gather [hbm4b:s6+s3], $0x80, v12, vm1, $0xb8;
	[tilespmem:$0x19200] =	vst v63  }
0xb4: {  	s0 =	simm.s32 $0xC200  }
0xb5: {  	[tilespmem:s0], [sflag:$0x2] =	stream.indirect_vreg.gather [hbm4b:s7+s3], $0x80, v12, vm1, $0xb8;
	[tilespmem:$0x19200] =	vst v63  }
0xb6: {  	s0 =	simm.s32 $0xCA00  }
0xb7: {  	[tilespmem:s0], [sflag:$0x2] =	stream.indirect_vreg.gather [hbm4b:s9+s3], $0x80, v12, vm1, $0xb8;
	[tilespmem:$0x19200] =	vst v63  }
0xb8: {  	v12 =	vld [tilespmem:$0x1030];
	_ =	sdelay $0x4  }
0xb9: {  	v22 =	vshll.u32 v12, $0x3  }
0xba: {  	v12 =	vand.u32 $0x7, v12;
	v13 =	vand.u32 $0xFFFFFFC0, v22  }
0xbb: {  	v12 =	vor.u32 v12, v13  }
0xbc: {  	v13 =	vperm.xlane v12, v9;
	_ =	sdelay $0x1  }
0xbd: {  	v13 =	vadd.s32 v10, v13;
	_ =	sdelay $0x3  }
0xbe: {  	s0 =	simm.s32 $0xD200  }
0xbf: {  	[tilespmem:s0], [sflag:$0x2] =	stream.indirect_vreg.gather [hbm4b:s1+s3], $0x80, v13, vm1, $0xb8;
	[tilespmem:$0x19200] =	vst v63  }
0xc0: {  	v12 =	vperm.xlane v12, v11;
	s0 =	simm.s32 $0xDA00  }
0xc1: {  	[tilespmem:s0], [sflag:$0x2] =	stream.indirect_vreg.gather [hbm4b:s6+s3], $0x80, v13, vm1, $0xb8;
	[tilespmem:$0x19200] =	vst v63  }
0xc2: {  	v12 =	vadd.s32 v10, v12;
	s0 =	simm.s32 $0xE200  }
0xc3: {  	[tilespmem:s0], [sflag:$0x2] =	stream.indirect_vreg.gather [hbm4b:s7+s3], $0x80, v13, vm1, $0xb8;
	[tilespmem:$0x19200] =	vst v63  }
0xc4: {  	s0 =	simm.s32 $0xEA00  }
0xc5: {  	[tilespmem:s0], [sflag:$0x2] =	stream.indirect_vreg.gather [hbm4b:s9+s3], $0x80, v13, vm1, $0xb8;
	[tilespmem:$0x19200] =	vst v63  }
0xc6: {  	s0 =	simm.s32 $0xF200  }
0xc7: {  	[tilespmem:s0], [sflag:$0x2] =	stream.indirect_vreg.gather [hbm4b:s1+s3], $0x80, v12, vm1, $0xb8;
	[tilespmem:$0x19200] =	vst v63  }
0xc8: {  	s0 =	simm.s32 $0xFA00  }
0xc9: {  	[tilespmem:s0], [sflag:$0x2] =	stream.indirect_vreg.gather [hbm4b:s6+s3], $0x80, v12, vm1, $0xb8;
	[tilespmem:$0x19200] =	vst v63  }
0xca: {  	s0 =	simm.s32 $0x10200  }
0xcb: {  	[tilespmem:s0], [sflag:$0x2] =	stream.indirect_vreg.gather [hbm4b:s7+s3], $0x80, v12, vm1, $0xb8;
	[tilespmem:$0x19200] =	vst v63  }
0xcc: {  	s0 =	simm.s32 $0x10A00  }
0xcd: {  	[tilespmem:s0], [sflag:$0x2] =	stream.indirect_vreg.gather [hbm4b:s9+s3], $0x80, v12, vm1, $0xb8;
	[tilespmem:$0x19200] =	vst v63  }
0xce: {  	v12 =	vld [tilespmem:$0x1040];
	_ =	sdelay $0x4  }
0xcf: {  	v23 =	vshll.u32 v12, $0x3  }
0xd0: {  	v12 =	vand.u32 $0x7, v12;
	v13 =	vand.u32 $0xFFFFFFC0, v23  }
0xd1: {  	v12 =	vor.u32 v12, v13  }
0xd2: {  	v13 =	vperm.xlane v12, v9;
	_ =	sdelay $0x1  }
0xd3: {  	v13 =	vadd.s32 v10, v13;
	_ =	sdelay $0x4  }
0xd4: {  	[tilespmem:s29], [sflag:$0x3] =	stream.indirect_vreg.gather [hbm4b:s1+s3], $0x80, v13, vm1, $0xb8;
	[tilespmem:$0x19200] =	vst v63  }
0xd5: {  	s0 =	simm.s32 $0x11A00;
	v12 =	vperm.xlane v12, v11  }
0xd6: {  	[tilespmem:s0], [sflag:$0x3] =	stream.indirect_vreg.gather [hbm4b:s6+s3], $0x80, v13, vm1, $0xb8;
	[tilespmem:$0x19200] =	vst v63  }
0xd7: {  	v12 =	vadd.s32 v10, v12;
	s0 =	simm.s32 $0x12200  }
0xd8: {  	[tilespmem:s0], [sflag:$0x3] =	stream.indirect_vreg.gather [hbm4b:s7+s3], $0x80, v13, vm1, $0xb8;
	[tilespmem:$0x19200] =	vst v63  }
0xd9: {  	s0 =	simm.s32 $0x12A00  }
0xda: {  	[tilespmem:s0], [sflag:$0x3] =	stream.indirect_vreg.gather [hbm4b:s9+s3], $0x80, v13, vm1, $0xb8;
	[tilespmem:$0x19200] =	vst v63  }
0xdb: {  	s0 =	simm.s32 $0x13200  }
0xdc: {  	[tilespmem:s0], [sflag:$0x3] =	stream.indirect_vreg.gather [hbm4b:s1+s3], $0x80, v12, vm1, $0xb8;
	[tilespmem:$0x19200] =	vst v63  }
0xdd: {  	s0 =	simm.s32 $0x13A00  }
0xde: {  	[tilespmem:s0], [sflag:$0x3] =	stream.indirect_vreg.gather [hbm4b:s6+s3], $0x80, v12, vm1, $0xb8;
	[tilespmem:$0x19200] =	vst v63  }
0xdf: {  	s0 =	simm.s32 $0x14200  }
0xe0: {  	[tilespmem:s0], [sflag:$0x3] =	stream.indirect_vreg.gather [hbm4b:s7+s3], $0x80, v12, vm1, $0xb8;
	[tilespmem:$0x19200] =	vst v63  }
0xe1: {  	s0 =	simm.s32 $0x14A00  }
0xe2: {  	[tilespmem:s0], [sflag:$0x3] =	stream.indirect_vreg.gather [hbm4b:s9+s3], $0x80, v12, vm1, $0xb8;
	[tilespmem:$0x19200] =	vst v63  }
0xe3: {  	v12 =	vld [tilespmem:$0x1050];
	_ =	sdelay $0x4  }
0xe4: {  	v24 =	vshll.u32 v12, $0x3  }
0xe5: {  	v12 =	vand.u32 $0x7, v12;
	v13 =	vand.u32 $0xFFFFFFC0, v24  }
0xe6: {  	v12 =	vor.u32 v12, v13  }
0xe7: {  	v13 =	vperm.xlane v12, v9;
	_ =	sdelay $0x1  }
0xe8: {  	v13 =	vadd.s32 v10, v13;
	_ =	sdelay $0x3  }
0xe9: {  	s0 =	simm.s32 $0x15200  }
0xea: {  	[tilespmem:s0], [sflag:$0x3] =	stream.indirect_vreg.gather [hbm4b:s1+s3], $0x80, v13, vm1, $0xb8;
	[tilespmem:$0x19200] =	vst v63  }
0xeb: {  	v12 =	vperm.xlane v12, v11;
	s0 =	simm.s32 $0x15A00  }
0xec: {  	[tilespmem:s0], [sflag:$0x3] =	stream.indirect_vreg.gather [hbm4b:s6+s3], $0x80, v13, vm1, $0xb8;
	[tilespmem:$0x19200] =	vst v63  }
0xed: {  	v12 =	vadd.s32 v10, v12;
	s0 =	simm.s32 $0x16200  }
0xee: {  	[tilespmem:s0], [sflag:$0x3] =	stream.indirect_vreg.gather [hbm4b:s7+s3], $0x80, v13, vm1, $0xb8;
	[tilespmem:$0x19200] =	vst v63  }
0xef: {  	s0 =	simm.s32 $0x16A00  }
0xf0: {  	[tilespmem:s0], [sflag:$0x3] =	stream.indirect_vreg.gather [hbm4b:s9+s3], $0x80, v13, vm1, $0xb8;
	[tilespmem:$0x19200] =	vst v63  }
0xf1: {  	s0 =	simm.s32 $0x17200  }
0xf2: {  	[tilespmem:s0], [sflag:$0x3] =	stream.indirect_vreg.gather [hbm4b:s1+s3], $0x80, v12, vm1, $0xb8;
	[tilespmem:$0x19200] =	vst v63  }
0xf3: {  	s0 =	simm.s32 $0x17A00  }
0xf4: {  	[tilespmem:s0], [sflag:$0x3] =	stream.indirect_vreg.gather [hbm4b:s6+s3], $0x80, v12, vm1, $0xb8;
	[tilespmem:$0x19200] =	vst v63  }
0xf5: {  	s0 =	simm.s32 $0x18200  }
0xf6: {  	[tilespmem:s0], [sflag:$0x3] =	stream.indirect_vreg.gather [hbm4b:s7+s3], $0x80, v12, vm1, $0xb8;
	[tilespmem:$0x19200] =	vst v63  }
0xf7: {  	s0 =	simm.s32 $0x18A00  }
0xf8: {  	[tilespmem:s0], [sflag:$0x3] =	stream.indirect_vreg.gather [hbm4b:s9+s3], $0x80, v12, vm1, $0xb8;
	[tilespmem:$0x19200] =	vst v63  }
0xf9: {  	_ =	swait.ge [sflag:s23], $0x8000  }
0xfa: {  	[sflag:s23] =	ssyncset.done $0x0  }
0xfb: {  	s0 =	rddreg [dreg:$0x5];
	[sflag:s23] =	ssyncadd.s32 $0xFFFF8000  }
0xfc: {  	[hbm4b:s0+s3] =	stream.linear.scatter [tilespmem:s22], [sflag:$0x4], $0x8000, $0x38;
	[tilespmem:$0x19200] =	vst v63  }
0xfd: {  	_ =	swait.ge [sflag:s24], $0x8000  }
0xfe: {  	[sflag:s24] =	ssyncset.done $0x0  }
0xff: {  	[sflag:s24] =	ssyncadd.s32 $0xFFFF8000  }
0x100: {  	v25 =	vld [tilespmem:$0x1060];
	_ =	sdelay $0x4  }
0x101: {  	v26 =	vshll.u32 v25, $0x3  }
0x102: {  	v12 =	vand.u32 $0x7, v25;
	v13 =	vand.u32 $0xFFFFFFC0, v26  }
0x103: {  	v12 =	vor.u32 v12, v13  }
0x104: {  	v13 =	vperm.xlane v12, v9;
	_ =	sdelay $0x1  }
0x105: {  	v13 =	vadd.s32 v10, v13;
	_ =	sdelay $0x4  }
0x106: {  	[tilespmem:s22], [sflag:$0x1] =	stream.indirect_vreg.gather [hbm4b:s1+s3], $0x80, v13, vm1, $0xb8;
	[tilespmem:$0x19200] =	vst v63  }
0x107: {  	s19 =	simm.s32 $0x1A00;
	v12 =	vperm.xlane v12, v11  }
0x108: {  	[tilespmem:s19], [sflag:$0x1] =	stream.indirect_vreg.gather [hbm4b:s6+s3], $0x80, v13, vm1, $0xb8;
	[tilespmem:$0x19200] =	vst v63  }
0x109: {  	s30 =	simm.s32 $0x2200;
	v12 =	vadd.s32 v10, v12  }
0x10a: {  	[tilespmem:s30], [sflag:$0x1] =	stream.indirect_vreg.gather [hbm4b:s7+s3], $0x80, v13, vm1, $0xb8;
	[tilespmem:$0x19200] =	vst v63  }
0x10b: {  	s31 =	simm.s32 $0x2A00  }
0x10c: {  	[tilespmem:s31], [sflag:$0x1] =	stream.indirect_vreg.gather [hbm4b:s9+s3], $0x80, v13, vm1, $0xb8;
	[tilespmem:$0x19200] =	vst v63  }
0x10d: {  	s31 =	simm.s32 $0x3200  }
0x10e: {  	[tilespmem:s31], [sflag:$0x1] =	stream.indirect_vreg.gather [hbm4b:s1+s3], $0x80, v12, vm1, $0xb8;
	[tilespmem:$0x19200] =	vst v63  }
0x10f: {  	s12 =	simm.s32 $0x3A00  }
0x110: {  	[tilespmem:s12], [sflag:$0x1] =	stream.indirect_vreg.gather [hbm4b:s6+s3], $0x80, v12, vm1, $0xb8;
	[tilespmem:$0x19200] =	vst v63  }
0x111: {  	s13 =	simm.s32 $0x4200  }
0x112: {  	[tilespmem:s13], [sflag:$0x1] =	stream.indirect_vreg.gather [hbm4b:s7+s3], $0x80, v12, vm1, $0xb8;
	[tilespmem:$0x19200] =	vst v63  }
0x113: {  	s21 =	simm.s32 $0x4A00  }
0x114: {  	[tilespmem:s21], [sflag:$0x1] =	stream.indirect_vreg.gather [hbm4b:s9+s3], $0x80, v12, vm1, $0xb8;
	[tilespmem:$0x19200] =	vst v63  }
0x115: {  	v12 =	vld [tilespmem:$0x1070];
	_ =	sdelay $0x4  }
0x116: {  	v27 =	vshll.u32 v12, $0x3  }
0x117: {  	v12 =	vand.u32 $0x7, v12;
	v13 =	vand.u32 $0xFFFFFFC0, v27  }
0x118: {  	v12 =	vor.u32 v12, v13  }
0x119: {  	v13 =	vperm.xlane v12, v9;
	_ =	sdelay $0x1  }
0x11a: {  	v13 =	vadd.s32 v10, v13;
	_ =	sdelay $0x3  }
0x11b: {  	s28 =	simm.s32 $0x5200  }
0x11c: {  	[tilespmem:s28], [sflag:$0x1] =	stream.indirect_vreg.gather [hbm4b:s1+s3], $0x80, v13, vm1, $0xb8;
	[tilespmem:$0x19200] =	vst v63  }
0x11d: {  	s10 =	simm.s32 $0x5A00;
	v12 =	vperm.xlane v12, v11  }
0x11e: {  	[tilespmem:s10], [sflag:$0x1] =	stream.indirect_vreg.gather [hbm4b:s6+s3], $0x80, v13, vm1, $0xb8;
	[tilespmem:$0x19200] =	vst v63  }
0x11f: {  	s14 =	simm.s32 $0x6200;
	v12 =	vadd.s32 v10, v12  }
0x120: {  	[tilespmem:s14], [sflag:$0x1] =	stream.indirect_vreg.gather [hbm4b:s7+s3], $0x80, v13, vm1, $0xb8;
	[tilespmem:$0x19200] =	vst v63  }
0x121: {  	s15 =	simm.s32 $0x6A00  }
0x122: {  	[tilespmem:s15], [sflag:$0x1] =	stream.indirect_vreg.gather [hbm4b:s9+s3], $0x80, v13, vm1, $0xb8;
	[tilespmem:$0x19200] =	vst v63  }
0x123: {  	s16 =	simm.s32 $0x7200  }
0x124: {  	[tilespmem:s16], [sflag:$0x1] =	stream.indirect_vreg.gather [hbm4b:s1+s3], $0x80, v12, vm1, $0xb8;
	[tilespmem:$0x19200] =	vst v63  }
0x125: {  	s17 =	simm.s32 $0x7A00  }
0x126: {  	[tilespmem:s17], [sflag:$0x1] =	stream.indirect_vreg.gather [hbm4b:s6+s3], $0x80, v12, vm1, $0xb8;
	[tilespmem:$0x19200] =	vst v63  }
0x127: {  	s18 =	simm.s32 $0x8200  }
0x128: {  	[tilespmem:s18], [sflag:$0x1] =	stream.indirect_vreg.gather [hbm4b:s7+s3], $0x80, v12, vm1, $0xb8;
	[tilespmem:$0x19200] =	vst v63  }
0x129: {  	s11 =	simm.s32 $0x8A00  }
0x12a: {  	[tilespmem:s11], [sflag:$0x1] =	stream.indirect_vreg.gather [hbm4b:s9+s3], $0x80, v12, vm1, $0xb8;
	[tilespmem:$0x19200] =	vst v63  }
0x12b: {  	_ =	swait.ge [sflag:s25], $0x8000  }
0x12c: {  	[sflag:s25] =	ssyncset.done $0x0  }
0x12d: {  	s18 =	rddreg [dreg:$0x6];
	[sflag:s25] =	ssyncadd.s32 $0xFFFF8000  }
0x12e: {  	[hbm4b:s18+s3] =	stream.linear.scatter [tilespmem:s2], [sflag:$0x5], $0x8000, $0x38;
	[tilespmem:$0x19200] =	vst v63  }
0x12f: {  	_ =	swait.ge [sflag:s26], $0x8000  }
0x130: {  	[sflag:s26] =	ssyncset.done $0x0  }
0x131: {  	[sflag:s26] =	ssyncadd.s32 $0xFFFF8000  }
0x132: {  	v28 =	vld [tilespmem:$0x1080];
	_ =	sdelay $0x4  }
0x133: {  	v29 =	vshll.u32 v28, $0x3  }
0x134: {  	v12 =	vand.u32 $0x7, v28;
	v13 =	vand.u32 $0xFFFFFFC0, v29  }
0x135: {  	v12 =	vor.u32 v12, v13  }
0x136: {  	v13 =	vperm.xlane v12, v9;
	_ =	sdelay $0x1  }
0x137: {  	v13 =	vadd.s32 v10, v13;
	_ =	sdelay $0x4  }
0x138: {  	[tilespmem:s2], [sflag:$0x2] =	stream.indirect_vreg.gather [hbm4b:s1+s3], $0x80, v13, vm1, $0xb8;
	[tilespmem:$0x19200] =	vst v63  }
0x139: {  	s18 =	simm.s32 $0x9A00;
	v12 =	vperm.xlane v12, v11  }
0x13a: {  	[tilespmem:s18], [sflag:$0x2] =	stream.indirect_vreg.gather [hbm4b:s6+s3], $0x80, v13, vm1, $0xb8;
	[tilespmem:$0x19200] =	vst v63  }
0x13b: {  	v12 =	vadd.s32 v10, v12;
	s18 =	simm.s32 $0xA200  }
0x13c: {  	[tilespmem:s18], [sflag:$0x2] =	stream.indirect_vreg.gather [hbm4b:s7+s3], $0x80, v13, vm1, $0xb8;
	[tilespmem:$0x19200] =	vst v63  }
0x13d: {  	s18 =	simm.s32 $0xAA00  }
0x13e: {  	[tilespmem:s18], [sflag:$0x2] =	stream.indirect_vreg.gather [hbm4b:s9+s3], $0x80, v13, vm1, $0xb8;
	[tilespmem:$0x19200] =	vst v63  }
0x13f: {  	s18 =	simm.s32 $0xB200  }
0x140: {  	[tilespmem:s18], [sflag:$0x2] =	stream.indirect_vreg.gather [hbm4b:s1+s3], $0x80, v12, vm1, $0xb8;
	[tilespmem:$0x19200] =	vst v63  }
0x141: {  	s18 =	simm.s32 $0xBA00  }
0x142: {  	[tilespmem:s18], [sflag:$0x2] =	stream.indirect_vreg.gather [hbm4b:s6+s3], $0x80, v12, vm1, $0xb8;
	[tilespmem:$0x19200] =	vst v63  }
0x143: {  	s18 =	simm.s32 $0xC200  }
0x144: {  	[tilespmem:s18], [sflag:$0x2] =	stream.indirect_vreg.gather [hbm4b:s7+s3], $0x80, v12, vm1, $0xb8;
	[tilespmem:$0x19200] =	vst v63  }
0x145: {  	s18 =	simm.s32 $0xCA00  }
0x146: {  	[tilespmem:s18], [sflag:$0x2] =	stream.indirect_vreg.gather [hbm4b:s9+s3], $0x80, v12, vm1, $0xb8;
	[tilespmem:$0x19200] =	vst v63  }
0x147: {  	v12 =	vld [tilespmem:$0x1090];
	_ =	sdelay $0x4  }
0x148: {  	v30 =	vshll.u32 v12, $0x3  }
0x149: {  	v12 =	vand.u32 $0x7, v12;
	v13 =	vand.u32 $0xFFFFFFC0, v30  }
0x14a: {  	v12 =	vor.u32 v12, v13  }
0x14b: {  	v13 =	vperm.xlane v12, v9;
	_ =	sdelay $0x1  }
0x14c: {  	v13 =	vadd.s32 v10, v13;
	_ =	sdelay $0x3  }
0x14d: {  	s18 =	simm.s32 $0xD200  }
0x14e: {  	[tilespmem:s18], [sflag:$0x2] =	stream.indirect_vreg.gather [hbm4b:s1+s3], $0x80, v13, vm1, $0xb8;
	[tilespmem:$0x19200] =	vst v63  }
0x14f: {  	v12 =	vperm.xlane v12, v11;
	s18 =	simm.s32 $0xDA00  }
0x150: {  	[tilespmem:s18], [sflag:$0x2] =	stream.indirect_vreg.gather [hbm4b:s6+s3], $0x80, v13, vm1, $0xb8;
	[tilespmem:$0x19200] =	vst v63  }
0x151: {  	v12 =	vadd.s32 v10, v12;
	s18 =	simm.s32 $0xE200  }
0x152: {  	[tilespmem:s18], [sflag:$0x2] =	stream.indirect_vreg.gather [hbm4b:s7+s3], $0x80, v13, vm1, $0xb8;
	[tilespmem:$0x19200] =	vst v63  }
0x153: {  	s18 =	simm.s32 $0xEA00  }
0x154: {  	[tilespmem:s18], [sflag:$0x2] =	stream.indirect_vreg.gather [hbm4b:s9+s3], $0x80, v13, vm1, $0xb8;
	[tilespmem:$0x19200] =	vst v63  }
0x155: {  	s18 =	simm.s32 $0xF200  }
0x156: {  	[tilespmem:s18], [sflag:$0x2] =	stream.indirect_vreg.gather [hbm4b:s1+s3], $0x80, v12, vm1, $0xb8;
	[tilespmem:$0x19200] =	vst v63  }
0x157: {  	s18 =	simm.s32 $0xFA00  }
0x158: {  	[tilespmem:s18], [sflag:$0x2] =	stream.indirect_vreg.gather [hbm4b:s6+s3], $0x80, v12, vm1, $0xb8;
	[tilespmem:$0x19200] =	vst v63  }
0x159: {  	s18 =	simm.s32 $0x10200  }
0x15a: {  	[tilespmem:s18], [sflag:$0x2] =	stream.indirect_vreg.gather [hbm4b:s7+s3], $0x80, v12, vm1, $0xb8;
	[tilespmem:$0x19200] =	vst v63  }
0x15b: {  	s18 =	simm.s32 $0x10A00  }
0x15c: {  	[tilespmem:s18], [sflag:$0x2] =	stream.indirect_vreg.gather [hbm4b:s9+s3], $0x80, v12, vm1, $0xb8;
	[tilespmem:$0x19200] =	vst v63  }
0x15d: {  	_ =	swait.ge [sflag:s20], $0x8000  }
0x15e: {  	[sflag:s20] =	ssyncset.done $0x0  }
0x15f: {  	s18 =	rddreg [dreg:$0x7];
	[sflag:s20] =	ssyncadd.s32 $0xFFFF8000  }
0x160: {  	[hbm4b:s18+s3] =	stream.linear.scatter [tilespmem:s29], [sflag:$0x6], $0x8000, $0x38;
	[tilespmem:$0x19200] =	vst v63  }
0x161: {  	_ =	swait.ge [sflag:s8], $0x8000  }
0x162: {  	[sflag:s8] =	ssyncset.done $0x0  }
0x163: {  	[sflag:s8] =	ssyncadd.s32 $0xFFFF8000  }
0x164: {  	v31 =	vld [tilespmem:$0x10A0];
	_ =	sdelay $0x4  }
0x165: {  	v32 =	vshll.u32 v31, $0x3  }
0x166: {  	v12 =	vand.u32 $0x7, v31;
	v13 =	vand.u32 $0xFFFFFFC0, v32  }
0x167: {  	v12 =	vor.u32 v12, v13  }
0x168: {  	v13 =	vperm.xlane v12, v9;
	_ =	sdelay $0x1  }
0x169: {  	v13 =	vadd.s32 v10, v13;
	_ =	sdelay $0x4  }
0x16a: {  	[tilespmem:s29], [sflag:$0x3] =	stream.indirect_vreg.gather [hbm4b:s1+s3], $0x80, v13, vm1, $0xb8;
	[tilespmem:$0x19200] =	vst v63  }
0x16b: {  	s18 =	simm.s32 $0x11A00;
	v12 =	vperm.xlane v12, v11  }
0x16c: {  	[tilespmem:s18], [sflag:$0x3] =	stream.indirect_vreg.gather [hbm4b:s6+s3], $0x80, v13, vm1, $0xb8;
	[tilespmem:$0x19200] =	vst v63  }
0x16d: {  	v12 =	vadd.s32 v10, v12;
	s18 =	simm.s32 $0x12200  }
0x16e: {  	[tilespmem:s18], [sflag:$0x3] =	stream.indirect_vreg.gather [hbm4b:s7+s3], $0x80, v13, vm1, $0xb8;
	[tilespmem:$0x19200] =	vst v63  }
0x16f: {  	s0 =	simm.s32 $0x12A00  }
0x170: {  	[tilespmem:s0], [sflag:$0x3] =	stream.indirect_vreg.gather [hbm4b:s9+s3], $0x80, v13, vm1, $0xb8;
	[tilespmem:$0x19200] =	vst v63  }
0x171: {  	s0 =	simm.s32 $0x13200  }
0x172: {  	[tilespmem:s0], [sflag:$0x3] =	stream.indirect_vreg.gather [hbm4b:s1+s3], $0x80, v12, vm1, $0xb8;
	[tilespmem:$0x19200] =	vst v63  }
0x173: {  	s0 =	simm.s32 $0x13A00  }
0x174: {  	[tilespmem:s0], [sflag:$0x3] =	stream.indirect_vreg.gather [hbm4b:s6+s3], $0x80, v12, vm1, $0xb8;
	[tilespmem:$0x19200] =	vst v63  }
0x175: {  	s0 =	simm.s32 $0x14200  }
0x176: {  	[tilespmem:s0], [sflag:$0x3] =	stream.indirect_vreg.gather [hbm4b:s7+s3], $0x80, v12, vm1, $0xb8;
	[tilespmem:$0x19200] =	vst v63  }
0x177: {  	s0 =	simm.s32 $0x14A00  }
0x178: {  	[tilespmem:s0], [sflag:$0x3] =	stream.indirect_vreg.gather [hbm4b:s9+s3], $0x80, v12, vm1, $0xb8;
	[tilespmem:$0x19200] =	vst v63  }
0x179: {  	v12 =	vld [tilespmem:$0x10B0];
	_ =	sdelay $0x4  }
0x17a: {  	v33 =	vshll.u32 v12, $0x3  }
0x17b: {  	v12 =	vand.u32 $0x7, v12;
	v13 =	vand.u32 $0xFFFFFFC0, v33  }
0x17c: {  	v12 =	vor.u32 v12, v13  }
0x17d: {  	v13 =	vperm.xlane v12, v9;
	_ =	sdelay $0x1  }
0x17e: {  	v13 =	vadd.s32 v10, v13;
	_ =	sdelay $0x3  }
0x17f: {  	s0 =	simm.s32 $0x15200  }
0x180: {  	[tilespmem:s0], [sflag:$0x3] =	stream.indirect_vreg.gather [hbm4b:s1+s3], $0x80, v13, vm1, $0xb8;
	[tilespmem:$0x19200] =	vst v63  }
0x181: {  	v12 =	vperm.xlane v12, v11;
	s0 =	simm.s32 $0x15A00  }
0x182: {  	[tilespmem:s0], [sflag:$0x3] =	stream.indirect_vreg.gather [hbm4b:s6+s3], $0x80, v13, vm1, $0xb8;
	[tilespmem:$0x19200] =	vst v63  }
0x183: {  	v12 =	vadd.s32 v10, v12;
	s0 =	simm.s32 $0x16200  }
0x184: {  	[tilespmem:s0], [sflag:$0x3] =	stream.indirect_vreg.gather [hbm4b:s7+s3], $0x80, v13, vm1, $0xb8;
	[tilespmem:$0x19200] =	vst v63  }
0x185: {  	s0 =	simm.s32 $0x16A00  }
0x186: {  	[tilespmem:s0], [sflag:$0x3] =	stream.indirect_vreg.gather [hbm4b:s9+s3], $0x80, v13, vm1, $0xb8;
	[tilespmem:$0x19200] =	vst v63  }
0x187: {  	s0 =	simm.s32 $0x17200  }
0x188: {  	[tilespmem:s0], [sflag:$0x3] =	stream.indirect_vreg.gather [hbm4b:s1+s3], $0x80, v12, vm1, $0xb8;
	[tilespmem:$0x19200] =	vst v63  }
0x189: {  	s0 =	simm.s32 $0x17A00  }
0x18a: {  	[tilespmem:s0], [sflag:$0x3] =	stream.indirect_vreg.gather [hbm4b:s6+s3], $0x80, v12, vm1, $0xb8;
	[tilespmem:$0x19200] =	vst v63  }
0x18b: {  	s0 =	simm.s32 $0x18200  }
0x18c: {  	[tilespmem:s0], [sflag:$0x3] =	stream.indirect_vreg.gather [hbm4b:s7+s3], $0x80, v12, vm1, $0xb8;
	[tilespmem:$0x19200] =	vst v63  }
0x18d: {  	s0 =	simm.s32 $0x18A00  }
0x18e: {  	[tilespmem:s0], [sflag:$0x3] =	stream.indirect_vreg.gather [hbm4b:s9+s3], $0x80, v12, vm1, $0xb8;
	[tilespmem:$0x19200] =	vst v63  }
0x18f: {  	_ =	swait.ge [sflag:s23], $0x8000  }
0x190: {  	[sflag:s23] =	ssyncset.done $0x0  }
0x191: {  	s0 =	rddreg [dreg:$0x8];
	[sflag:s23] =	ssyncadd.s32 $0xFFFF8000  }
0x192: {  	[hbm4b:s0+s3] =	stream.linear.scatter [tilespmem:s22], [sflag:$0x4], $0x8000, $0x38;
	[tilespmem:$0x19200] =	vst v63  }
0x193: {  	_ =	swait.ge [sflag:s24], $0x8000  }
0x194: {  	[sflag:s24] =	ssyncset.done $0x0  }
0x195: {  	[sflag:s24] =	ssyncadd.s32 $0xFFFF8000  }
0x196: {  	v34 =	vld [tilespmem:$0x10C0];
	_ =	sdelay $0x4  }
0x197: {  	v35 =	vshll.u32 v34, $0x3  }
0x198: {  	v12 =	vand.u32 $0x7, v34;
	v13 =	vand.u32 $0xFFFFFFC0, v35  }
0x199: {  	v12 =	vor.u32 v12, v13  }
0x19a: {  	v13 =	vperm.xlane v12, v9;
	_ =	sdelay $0x1  }
0x19b: {  	v13 =	vadd.s32 v10, v13;
	_ =	sdelay $0x4  }
0x19c: {  	[tilespmem:s22], [sflag:$0x1] =	stream.indirect_vreg.gather [hbm4b:s1+s3], $0x80, v13, vm1, $0xb8;
	[tilespmem:$0x19200] =	vst v63  }
0x19d: {  	s0 =	simm.s32 $0x1A00;
	v12 =	vperm.xlane v12, v11  }
0x19e: {  	[tilespmem:s0], [sflag:$0x1] =	stream.indirect_vreg.gather [hbm4b:s6+s3], $0x80, v13, vm1, $0xb8;
	[tilespmem:$0x19200] =	vst v63  }
0x19f: {  	s19 =	simm.s32 $0x2200;
	v12 =	vadd.s32 v10, v12  }
0x1a0: {  	[tilespmem:s19], [sflag:$0x1] =	stream.indirect_vreg.gather [hbm4b:s7+s3], $0x80, v13, vm1, $0xb8;
	[tilespmem:$0x19200] =	vst v63  }
0x1a1: {  	s30 =	simm.s32 $0x2A00  }
0x1a2: {  	[tilespmem:s30], [sflag:$0x1] =	stream.indirect_vreg.gather [hbm4b:s9+s3], $0x80, v13, vm1, $0xb8;
	[tilespmem:$0x19200] =	vst v63  }
0x1a3: {  	s31 =	simm.s32 $0x3200  }
0x1a4: {  	[tilespmem:s31], [sflag:$0x1] =	stream.indirect_vreg.gather [hbm4b:s1+s3], $0x80, v12, vm1, $0xb8;
	[tilespmem:$0x19200] =	vst v63  }
0x1a5: {  	s12 =	simm.s32 $0x3A00  }
0x1a6: {  	[tilespmem:s12], [sflag:$0x1] =	stream.indirect_vreg.gather [hbm4b:s6+s3], $0x80, v12, vm1, $0xb8;
	[tilespmem:$0x19200] =	vst v63  }
0x1a7: {  	s13 =	simm.s32 $0x4200  }
0x1a8: {  	[tilespmem:s13], [sflag:$0x1] =	stream.indirect_vreg.gather [hbm4b:s7+s3], $0x80, v12, vm1, $0xb8;
	[tilespmem:$0x19200] =	vst v63  }
0x1a9: {  	s21 =	simm.s32 $0x4A00  }
0x1aa: {  	[tilespmem:s21], [sflag:$0x1] =	stream.indirect_vreg.gather [hbm4b:s9+s3], $0x80, v12, vm1, $0xb8;
	[tilespmem:$0x19200] =	vst v63  }
0x1ab: {  	v12 =	vld [tilespmem:$0x10D0];
	_ =	sdelay $0x4  }
0x1ac: {  	v36 =	vshll.u32 v12, $0x3  }
0x1ad: {  	v12 =	vand.u32 $0x7, v12;
	v13 =	vand.u32 $0xFFFFFFC0, v36  }
0x1ae: {  	v12 =	vor.u32 v12, v13  }
0x1af: {  	v13 =	vperm.xlane v12, v9;
	_ =	sdelay $0x1  }
0x1b0: {  	v13 =	vadd.s32 v10, v13;
	_ =	sdelay $0x3  }
0x1b1: {  	s28 =	simm.s32 $0x5200  }
0x1b2: {  	[tilespmem:s28], [sflag:$0x1] =	stream.indirect_vreg.gather [hbm4b:s1+s3], $0x80, v13, vm1, $0xb8;
	[tilespmem:$0x19200] =	vst v63  }
0x1b3: {  	s0 =	simm.s32 $0x5A00;
	v12 =	vperm.xlane v12, v11  }
0x1b4: {  	[tilespmem:s0], [sflag:$0x1] =	stream.indirect_vreg.gather [hbm4b:s6+s3], $0x80, v13, vm1, $0xb8;
	[tilespmem:$0x19200] =	vst v63  }
0x1b5: {  	s10 =	simm.s32 $0x6200;
	v12 =	vadd.s32 v10, v12  }
0x1b6: {  	[tilespmem:s10], [sflag:$0x1] =	stream.indirect_vreg.gather [hbm4b:s7+s3], $0x80, v13, vm1, $0xb8;
	[tilespmem:$0x19200] =	vst v63  }
0x1b7: {  	s14 =	simm.s32 $0x6A00  }
0x1b8: {  	[tilespmem:s14], [sflag:$0x1] =	stream.indirect_vreg.gather [hbm4b:s9+s3], $0x80, v13, vm1, $0xb8;
	[tilespmem:$0x19200] =	vst v63  }
0x1b9: {  	s15 =	simm.s32 $0x7200  }
0x1ba: {  	[tilespmem:s15], [sflag:$0x1] =	stream.indirect_vreg.gather [hbm4b:s1+s3], $0x80, v12, vm1, $0xb8;
	[tilespmem:$0x19200] =	vst v63  }
0x1bb: {  	s16 =	simm.s32 $0x7A00  }
0x1bc: {  	[tilespmem:s16], [sflag:$0x1] =	stream.indirect_vreg.gather [hbm4b:s6+s3], $0x80, v12, vm1, $0xb8;
	[tilespmem:$0x19200] =	vst v63  }
0x1bd: {  	s17 =	simm.s32 $0x8200  }
0x1be: {  	[tilespmem:s17], [sflag:$0x1] =	stream.indirect_vreg.gather [hbm4b:s7+s3], $0x80, v12, vm1, $0xb8;
	[tilespmem:$0x19200] =	vst v63  }
0x1bf: {  	s11 =	simm.s32 $0x8A00  }
0x1c0: {  	[tilespmem:s11], [sflag:$0x1] =	stream.indirect_vreg.gather [hbm4b:s9+s3], $0x80, v12, vm1, $0xb8;
	[tilespmem:$0x19200] =	vst v63  }
0x1c1: {  	_ =	swait.ge [sflag:s25], $0x8000  }
0x1c2: {  	[sflag:s25] =	ssyncset.done $0x0  }
0x1c3: {  	s0 =	rddreg [dreg:$0x9];
	[sflag:s25] =	ssyncadd.s32 $0xFFFF8000  }
0x1c4: {  	[hbm4b:s0+s3] =	stream.linear.scatter [tilespmem:s2], [sflag:$0x5], $0x8000, $0x38;
	[tilespmem:$0x19200] =	vst v63  }
0x1c5: {  	_ =	swait.ge [sflag:s26], $0x8000  }
0x1c6: {  	[sflag:s26] =	ssyncset.done $0x0  }
0x1c7: {  	[sflag:s26] =	ssyncadd.s32 $0xFFFF8000  }
0x1c8: {  	v37 =	vld [tilespmem:$0x10E0];
	_ =	sdelay $0x4  }
0x1c9: {  	v38 =	vshll.u32 v37, $0x3  }
0x1ca: {  	v12 =	vand.u32 $0x7, v37;
	v13 =	vand.u32 $0xFFFFFFC0, v38  }
0x1cb: {  	v12 =	vor.u32 v12, v13  }
0x1cc: {  	v13 =	vperm.xlane v12, v9;
	_ =	sdelay $0x1  }
0x1cd: {  	v13 =	vadd.s32 v10, v13;
	_ =	sdelay $0x4  }
0x1ce: {  	[tilespmem:s2], [sflag:$0x2] =	stream.indirect_vreg.gather [hbm4b:s1+s3], $0x80, v13, vm1, $0xb8;
	[tilespmem:$0x19200] =	vst v63  }
0x1cf: {  	s0 =	simm.s32 $0x9A00;
	v12 =	vperm.xlane v12, v11  }
0x1d0: {  	[tilespmem:s0], [sflag:$0x2] =	stream.indirect_vreg.gather [hbm4b:s6+s3], $0x80, v13, vm1, $0xb8;
	[tilespmem:$0x19200] =	vst v63  }
0x1d1: {  	v12 =	vadd.s32 v10, v12;
	s0 =	simm.s32 $0xA200  }
0x1d2: {  	[tilespmem:s0], [sflag:$0x2] =	stream.indirect_vreg.gather [hbm4b:s7+s3], $0x80, v13, vm1, $0xb8;
	[tilespmem:$0x19200] =	vst v63  }
0x1d3: {  	s0 =	simm.s32 $0xAA00  }
0x1d4: {  	[tilespmem:s0], [sflag:$0x2] =	stream.indirect_vreg.gather [hbm4b:s9+s3], $0x80, v13, vm1, $0xb8;
	[tilespmem:$0x19200] =	vst v63  }
0x1d5: {  	s0 =	simm.s32 $0xB200  }
0x1d6: {  	[tilespmem:s0], [sflag:$0x2] =	stream.indirect_vreg.gather [hbm4b:s1+s3], $0x80, v12, vm1, $0xb8;
	[tilespmem:$0x19200] =	vst v63  }
0x1d7: {  	s0 =	simm.s32 $0xBA00  }
0x1d8: {  	[tilespmem:s0], [sflag:$0x2] =	stream.indirect_vreg.gather [hbm4b:s6+s3], $0x80, v12, vm1, $0xb8;
	[tilespmem:$0x19200] =	vst v63  }
0x1d9: {  	s0 =	simm.s32 $0xC200  }
0x1da: {  	[tilespmem:s0], [sflag:$0x2] =	stream.indirect_vreg.gather [hbm4b:s7+s3], $0x80, v12, vm1, $0xb8;
	[tilespmem:$0x19200] =	vst v63  }
0x1db: {  	s0 =	simm.s32 $0xCA00  }
0x1dc: {  	[tilespmem:s0], [sflag:$0x2] =	stream.indirect_vreg.gather [hbm4b:s9+s3], $0x80, v12, vm1, $0xb8;
	[tilespmem:$0x19200] =	vst v63  }
0x1dd: {  	v12 =	vld [tilespmem:$0x10F0];
	_ =	sdelay $0x4  }
0x1de: {  	v39 =	vshll.u32 v12, $0x3  }
0x1df: {  	v12 =	vand.u32 $0x7, v12;
	v13 =	vand.u32 $0xFFFFFFC0, v39  }
0x1e0: {  	v12 =	vor.u32 v12, v13  }
0x1e1: {  	v13 =	vperm.xlane v12, v9;
	_ =	sdelay $0x1  }
0x1e2: {  	v13 =	vadd.s32 v10, v13;
	_ =	sdelay $0x3  }
0x1e3: {  	s0 =	simm.s32 $0xD200  }
0x1e4: {  	[tilespmem:s0], [sflag:$0x2] =	stream.indirect_vreg.gather [hbm4b:s1+s3], $0x80, v13, vm1, $0xb8;
	[tilespmem:$0x19200] =	vst v63  }
0x1e5: {  	v12 =	vperm.xlane v12, v11;
	s0 =	simm.s32 $0xDA00  }
0x1e6: {  	[tilespmem:s0], [sflag:$0x2] =	stream.indirect_vreg.gather [hbm4b:s6+s3], $0x80, v13, vm1, $0xb8;
	[tilespmem:$0x19200] =	vst v63  }
0x1e7: {  	v12 =	vadd.s32 v10, v12;
	s0 =	simm.s32 $0xE200  }
0x1e8: {  	[tilespmem:s0], [sflag:$0x2] =	stream.indirect_vreg.gather [hbm4b:s7+s3], $0x80, v13, vm1, $0xb8;
	[tilespmem:$0x19200] =	vst v63  }
0x1e9: {  	s0 =	simm.s32 $0xEA00  }
0x1ea: {  	[tilespmem:s0], [sflag:$0x2] =	stream.indirect_vreg.gather [hbm4b:s9+s3], $0x80, v13, vm1, $0xb8;
	[tilespmem:$0x19200] =	vst v63  }
0x1eb: {  	s0 =	simm.s32 $0xF200  }
0x1ec: {  	[tilespmem:s0], [sflag:$0x2] =	stream.indirect_vreg.gather [hbm4b:s1+s3], $0x80, v12, vm1, $0xb8;
	[tilespmem:$0x19200] =	vst v63  }
0x1ed: {  	s0 =	simm.s32 $0xFA00  }
0x1ee: {  	[tilespmem:s0], [sflag:$0x2] =	stream.indirect_vreg.gather [hbm4b:s6+s3], $0x80, v12, vm1, $0xb8;
	[tilespmem:$0x19200] =	vst v63  }
0x1ef: {  	s0 =	simm.s32 $0x10200  }
0x1f0: {  	[tilespmem:s0], [sflag:$0x2] =	stream.indirect_vreg.gather [hbm4b:s7+s3], $0x80, v12, vm1, $0xb8;
	[tilespmem:$0x19200] =	vst v63  }
0x1f1: {  	s0 =	simm.s32 $0x10A00  }
0x1f2: {  	[tilespmem:s0], [sflag:$0x2] =	stream.indirect_vreg.gather [hbm4b:s9+s3], $0x80, v12, vm1, $0xb8;
	[tilespmem:$0x19200] =	vst v63  }
0x1f3: {  	_ =	swait.ge [sflag:s20], $0x8000  }
0x1f4: {  	[sflag:s20] =	ssyncset.done $0x0  }
0x1f5: {  	s0 =	rddreg [dreg:$0xa];
	[sflag:s20] =	ssyncadd.s32 $0xFFFF8000  }
0x1f6: {  	[hbm4b:s0+s3] =	stream.linear.scatter [tilespmem:s29], [sflag:$0x6], $0x8000, $0x38;
	[tilespmem:$0x19200] =	vst v63  }
0x1f7: {  	_ =	swait.ge [sflag:s8], $0x8000  }
0x1f8: {  	[sflag:s8] =	ssyncset.done $0x0  }
0x1f9: {  	[sflag:s8] =	ssyncadd.s32 $0xFFFF8000  }
0x1fa: {  	v40 =	vld [tilespmem:$0x1100];
	_ =	sdelay $0x4  }
0x1fb: {  	v41 =	vshll.u32 v40, $0x3  }
0x1fc: {  	v12 =	vand.u32 $0x7, v40;
	v13 =	vand.u32 $0xFFFFFFC0, v41  }
0x1fd: {  	v12 =	vor.u32 v12, v13  }
0x1fe: {  	v13 =	vperm.xlane v12, v9;
	_ =	sdelay $0x1  }
0x1ff: {  	v13 =	vadd.s32 v10, v13;
	_ =	sdelay $0x4  }
0x200: {  	[tilespmem:s29], [sflag:$0x3] =	stream.indirect_vreg.gather [hbm4b:s1+s3], $0x80, v13, vm1, $0xb8;
	[tilespmem:$0x19200] =	vst v63  }
0x201: {  	s0 =	simm.s32 $0x11A00;
	v12 =	vperm.xlane v12, v11  }
0x202: {  	[tilespmem:s0], [sflag:$0x3] =	stream.indirect_vreg.gather [hbm4b:s6+s3], $0x80, v13, vm1, $0xb8;
	[tilespmem:$0x19200] =	vst v63  }
0x203: {  	s18 =	simm.s32 $0x12200;
	v12 =	vadd.s32 v10, v12  }
0x204: {  	[tilespmem:s18], [sflag:$0x3] =	stream.indirect_vreg.gather [hbm4b:s7+s3], $0x80, v13, vm1, $0xb8;
	[tilespmem:$0x19200] =	vst v63  }
0x205: {  	s0 =	simm.s32 $0x12A00  }
0x206: {  	[tilespmem:s0], [sflag:$0x3] =	stream.indirect_vreg.gather [hbm4b:s9+s3], $0x80, v13, vm1, $0xb8;
	[tilespmem:$0x19200] =	vst v63  }
0x207: {  	s0 =	simm.s32 $0x13200  }
0x208: {  	[tilespmem:s0], [sflag:$0x3] =	stream.indirect_vreg.gather [hbm4b:s1+s3], $0x80, v12, vm1, $0xb8;
	[tilespmem:$0x19200] =	vst v63  }
0x209: {  	s0 =	simm.s32 $0x13A00  }
0x20a: {  	[tilespmem:s0], [sflag:$0x3] =	stream.indirect_vreg.gather [hbm4b:s6+s3], $0x80, v12, vm1, $0xb8;
	[tilespmem:$0x19200] =	vst v63  }
0x20b: {  	s0 =	simm.s32 $0x14200  }
0x20c: {  	[tilespmem:s0], [sflag:$0x3] =	stream.indirect_vreg.gather [hbm4b:s7+s3], $0x80, v12, vm1, $0xb8;
	[tilespmem:$0x19200] =	vst v63  }
0x20d: {  	s0 =	simm.s32 $0x14A00  }
0x20e: {  	[tilespmem:s0], [sflag:$0x3] =	stream.indirect_vreg.gather [hbm4b:s9+s3], $0x80, v12, vm1, $0xb8;
	[tilespmem:$0x19200] =	vst v63  }
0x20f: {  	v12 =	vld [tilespmem:$0x1110];
	_ =	sdelay $0x4  }
0x210: {  	v42 =	vshll.u32 v12, $0x3  }
0x211: {  	v12 =	vand.u32 $0x7, v12;
	v13 =	vand.u32 $0xFFFFFFC0, v42  }
0x212: {  	v12 =	vor.u32 v12, v13  }
0x213: {  	v13 =	vperm.xlane v12, v9;
	_ =	sdelay $0x1  }
0x214: {  	v13 =	vadd.s32 v10, v13;
	_ =	sdelay $0x3  }
0x215: {  	s0 =	simm.s32 $0x15200  }
0x216: {  	[tilespmem:s0], [sflag:$0x3] =	stream.indirect_vreg.gather [hbm4b:s1+s3], $0x80, v13, vm1, $0xb8;
	[tilespmem:$0x19200] =	vst v63  }
0x217: {  	v12 =	vperm.xlane v12, v11;
	s0 =	simm.s32 $0x15A00  }
0x218: {  	[tilespmem:s0], [sflag:$0x3] =	stream.indirect_vreg.gather [hbm4b:s6+s3], $0x80, v13, vm1, $0xb8;
	[tilespmem:$0x19200] =	vst v63  }
0x219: {  	v12 =	vadd.s32 v10, v12;
	s0 =	simm.s32 $0x16200  }
0x21a: {  	[tilespmem:s0], [sflag:$0x3] =	stream.indirect_vreg.gather [hbm4b:s7+s3], $0x80, v13, vm1, $0xb8;
	[tilespmem:$0x19200] =	vst v63  }
0x21b: {  	s0 =	simm.s32 $0x16A00  }
0x21c: {  	[tilespmem:s0], [sflag:$0x3] =	stream.indirect_vreg.gather [hbm4b:s9+s3], $0x80, v13, vm1, $0xb8;
	[tilespmem:$0x19200] =	vst v63  }
0x21d: {  	s0 =	simm.s32 $0x17200  }
0x21e: {  	[tilespmem:s0], [sflag:$0x3] =	stream.indirect_vreg.gather [hbm4b:s1+s3], $0x80, v12, vm1, $0xb8;
	[tilespmem:$0x19200] =	vst v63  }
0x21f: {  	s0 =	simm.s32 $0x17A00  }
0x220: {  	[tilespmem:s0], [sflag:$0x3] =	stream.indirect_vreg.gather [hbm4b:s6+s3], $0x80, v12, vm1, $0xb8;
	[tilespmem:$0x19200] =	vst v63  }
0x221: {  	s0 =	simm.s32 $0x18200  }
0x222: {  	[tilespmem:s0], [sflag:$0x3] =	stream.indirect_vreg.gather [hbm4b:s7+s3], $0x80, v12, vm1, $0xb8;
	[tilespmem:$0x19200] =	vst v63  }
0x223: {  	s0 =	simm.s32 $0x18A00  }
0x224: {  	[tilespmem:s0], [sflag:$0x3] =	stream.indirect_vreg.gather [hbm4b:s9+s3], $0x80, v12, vm1, $0xb8;
	[tilespmem:$0x19200] =	vst v63  }
0x225: {  	_ =	swait.ge [sflag:s23], $0x8000  }
0x226: {  	[sflag:s23] =	ssyncset.done $0x0  }
0x227: {  	s0 =	rddreg [dreg:$0xb];
	[sflag:s23] =	ssyncadd.s32 $0xFFFF8000  }
0x228: {  	[hbm4b:s0+s3] =	stream.linear.scatter [tilespmem:s22], [sflag:$0x4], $0x8000, $0x38;
	[tilespmem:$0x19200] =	vst v63  }
0x229: {  	_ =	swait.ge [sflag:s24], $0x8000  }
0x22a: {  	[sflag:s24] =	ssyncset.done $0x0  }
0x22b: {  	[sflag:s24] =	ssyncadd.s32 $0xFFFF8000  }
0x22c: {  	v43 =	vld [tilespmem:$0x1120];
	_ =	sdelay $0x4  }
0x22d: {  	v44 =	vshll.u32 v43, $0x3  }
0x22e: {  	v12 =	vand.u32 $0x7, v43;
	v13 =	vand.u32 $0xFFFFFFC0, v44  }
0x22f: {  	v12 =	vor.u32 v12, v13  }
0x230: {  	v13 =	vperm.xlane v12, v9;
	_ =	sdelay $0x1  }
0x231: {  	v13 =	vadd.s32 v10, v13;
	_ =	sdelay $0x4  }
0x232: {  	[tilespmem:s22], [sflag:$0x1] =	stream.indirect_vreg.gather [hbm4b:s1+s3], $0x80, v13, vm1, $0xb8;
	[tilespmem:$0x19200] =	vst v63  }
0x233: {  	s0 =	simm.s32 $0x1A00;
	v12 =	vperm.xlane v12, v11  }
0x234: {  	[tilespmem:s0], [sflag:$0x1] =	stream.indirect_vreg.gather [hbm4b:s6+s3], $0x80, v13, vm1, $0xb8;
	[tilespmem:$0x19200] =	vst v63  }
0x235: {  	s19 =	simm.s32 $0x2200;
	v12 =	vadd.s32 v10, v12  }
0x236: {  	[tilespmem:s19], [sflag:$0x1] =	stream.indirect_vreg.gather [hbm4b:s7+s3], $0x80, v13, vm1, $0xb8;
	[tilespmem:$0x19200] =	vst v63  }
0x237: {  	s30 =	simm.s32 $0x2A00  }
0x238: {  	[tilespmem:s30], [sflag:$0x1] =	stream.indirect_vreg.gather [hbm4b:s9+s3], $0x80, v13, vm1, $0xb8;
	[tilespmem:$0x19200] =	vst v63  }
0x239: {  	s31 =	simm.s32 $0x3200  }
0x23a: {  	[tilespmem:s31], [sflag:$0x1] =	stream.indirect_vreg.gather [hbm4b:s1+s3], $0x80, v12, vm1, $0xb8;
	[tilespmem:$0x19200] =	vst v63  }
0x23b: {  	s12 =	simm.s32 $0x3A00  }
0x23c: {  	[tilespmem:s12], [sflag:$0x1] =	stream.indirect_vreg.gather [hbm4b:s6+s3], $0x80, v12, vm1, $0xb8;
	[tilespmem:$0x19200] =	vst v63  }
0x23d: {  	s13 =	simm.s32 $0x4200  }
0x23e: {  	[tilespmem:s13], [sflag:$0x1] =	stream.indirect_vreg.gather [hbm4b:s7+s3], $0x80, v12, vm1, $0xb8;
	[tilespmem:$0x19200] =	vst v63  }
0x23f: {  	s21 =	simm.s32 $0x4A00  }
0x240: {  	[tilespmem:s21], [sflag:$0x1] =	stream.indirect_vreg.gather [hbm4b:s9+s3], $0x80, v12, vm1, $0xb8;
	[tilespmem:$0x19200] =	vst v63  }
0x241: {  	v12 =	vld [tilespmem:$0x1130];
	_ =	sdelay $0x4  }
0x242: {  	v45 =	vshll.u32 v12, $0x3  }
0x243: {  	v12 =	vand.u32 $0x7, v12;
	v13 =	vand.u32 $0xFFFFFFC0, v45  }
0x244: {  	v12 =	vor.u32 v12, v13  }
0x245: {  	v13 =	vperm.xlane v12, v9;
	_ =	sdelay $0x1  }
0x246: {  	v13 =	vadd.s32 v10, v13;
	_ =	sdelay $0x3  }
0x247: {  	s28 =	simm.s32 $0x5200  }
0x248: {  	[tilespmem:s28], [sflag:$0x1] =	stream.indirect_vreg.gather [hbm4b:s1+s3], $0x80, v13, vm1, $0xb8;
	[tilespmem:$0x19200] =	vst v63  }
0x249: {  	s13 =	simm.s32 $0x5A00;
	v12 =	vperm.xlane v12, v11  }
0x24a: {  	[tilespmem:s13], [sflag:$0x1] =	stream.indirect_vreg.gather [hbm4b:s6+s3], $0x80, v13, vm1, $0xb8;
	[tilespmem:$0x19200] =	vst v63  }
0x24b: {  	s10 =	simm.s32 $0x6200;
	v12 =	vadd.s32 v10, v12  }
0x24c: {  	[tilespmem:s10], [sflag:$0x1] =	stream.indirect_vreg.gather [hbm4b:s7+s3], $0x80, v13, vm1, $0xb8;
	[tilespmem:$0x19200] =	vst v63  }
0x24d: {  	s14 =	simm.s32 $0x6A00  }
0x24e: {  	[tilespmem:s14], [sflag:$0x1] =	stream.indirect_vreg.gather [hbm4b:s9+s3], $0x80, v13, vm1, $0xb8;
	[tilespmem:$0x19200] =	vst v63  }
0x24f: {  	s15 =	simm.s32 $0x7200  }
0x250: {  	[tilespmem:s15], [sflag:$0x1] =	stream.indirect_vreg.gather [hbm4b:s1+s3], $0x80, v12, vm1, $0xb8;
	[tilespmem:$0x19200] =	vst v63  }
0x251: {  	s16 =	simm.s32 $0x7A00  }
0x252: {  	[tilespmem:s16], [sflag:$0x1] =	stream.indirect_vreg.gather [hbm4b:s6+s3], $0x80, v12, vm1, $0xb8;
	[tilespmem:$0x19200] =	vst v63  }
0x253: {  	s17 =	simm.s32 $0x8200  }
0x254: {  	[tilespmem:s17], [sflag:$0x1] =	stream.indirect_vreg.gather [hbm4b:s7+s3], $0x80, v12, vm1, $0xb8;
	[tilespmem:$0x19200] =	vst v63  }
0x255: {  	s11 =	simm.s32 $0x8A00  }
0x256: {  	[tilespmem:s11], [sflag:$0x1] =	stream.indirect_vreg.gather [hbm4b:s9+s3], $0x80, v12, vm1, $0xb8;
	[tilespmem:$0x19200] =	vst v63  }
0x257: {  	_ =	swait.ge [sflag:s25], $0x8000  }
0x258: {  	[sflag:s25] =	ssyncset.done $0x0  }
0x259: {  	s19 =	rddreg [dreg:$0xc];
	[sflag:s25] =	ssyncadd.s32 $0xFFFF8000  }
0x25a: {  	[hbm4b:s19+s3] =	stream.linear.scatter [tilespmem:s2], [sflag:$0x5], $0x8000, $0x38;
	[tilespmem:$0x19200] =	vst v63  }
0x25b: {  	_ =	swait.ge [sflag:s26], $0x8000  }
0x25c: {  	[sflag:s26] =	ssyncset.done $0x0  }
0x25d: {  	[sflag:s26] =	ssyncadd.s32 $0xFFFF8000  }
0x25e: {  	v46 =	vld [tilespmem:$0x1140];
	_ =	sdelay $0x4  }
0x25f: {  	v47 =	vshll.u32 v46, $0x3  }
0x260: {  	v12 =	vand.u32 $0x7, v46;
	v13 =	vand.u32 $0xFFFFFFC0, v47  }
0x261: {  	v12 =	vor.u32 v12, v13  }
0x262: {  	v13 =	vperm.xlane v12, v9;
	_ =	sdelay $0x1  }
0x263: {  	v13 =	vadd.s32 v10, v13;
	_ =	sdelay $0x4  }
0x264: {  	[tilespmem:s2], [sflag:$0x2] =	stream.indirect_vreg.gather [hbm4b:s1+s3], $0x80, v13, vm1, $0xb8;
	[tilespmem:$0x19200] =	vst v63  }
0x265: {  	s21 =	simm.s32 $0x9A00;
	v12 =	vperm.xlane v12, v11  }
0x266: {  	[tilespmem:s21], [sflag:$0x2] =	stream.indirect_vreg.gather [hbm4b:s6+s3], $0x80, v13, vm1, $0xb8;
	[tilespmem:$0x19200] =	vst v63  }
0x267: {  	s28 =	simm.s32 $0xA200;
	v12 =	vadd.s32 v10, v12  }
0x268: {  	[tilespmem:s28], [sflag:$0x2] =	stream.indirect_vreg.gather [hbm4b:s7+s3], $0x80, v13, vm1, $0xb8;
	[tilespmem:$0x19200] =	vst v63  }
0x269: {  	s10 =	simm.s32 $0xAA00  }
0x26a: {  	[tilespmem:s10], [sflag:$0x2] =	stream.indirect_vreg.gather [hbm4b:s9+s3], $0x80, v13, vm1, $0xb8;
	[tilespmem:$0x19200] =	vst v63  }
0x26b: {  	s11 =	simm.s32 $0xB200  }
0x26c: {  	[tilespmem:s11], [sflag:$0x2] =	stream.indirect_vreg.gather [hbm4b:s1+s3], $0x80, v12, vm1, $0xb8;
	[tilespmem:$0x19200] =	vst v63  }
0x26d: {  	s12 =	simm.s32 $0xBA00  }
0x26e: {  	[tilespmem:s12], [sflag:$0x2] =	stream.indirect_vreg.gather [hbm4b:s6+s3], $0x80, v12, vm1, $0xb8;
	[tilespmem:$0x19200] =	vst v63  }
0x26f: {  	s13 =	simm.s32 $0xC200  }
0x270: {  	[tilespmem:s13], [sflag:$0x2] =	stream.indirect_vreg.gather [hbm4b:s7+s3], $0x80, v12, vm1, $0xb8;
	[tilespmem:$0x19200] =	vst v63  }
0x271: {  	s14 =	simm.s32 $0xCA00  }
0x272: {  	[tilespmem:s14], [sflag:$0x2] =	stream.indirect_vreg.gather [hbm4b:s9+s3], $0x80, v12, vm1, $0xb8;
	[tilespmem:$0x19200] =	vst v63  }
0x273: {  	v12 =	vld [tilespmem:$0x1150];
	_ =	sdelay $0x4  }
0x274: {  	v48 =	vshll.u32 v12, $0x3  }
0x275: {  	v12 =	vand.u32 $0x7, v12;
	v13 =	vand.u32 $0xFFFFFFC0, v48  }
0x276: {  	v12 =	vor.u32 v12, v13  }
0x277: {  	v13 =	vperm.xlane v12, v9;
	_ =	sdelay $0x1  }
0x278: {  	v13 =	vadd.s32 v10, v13;
	_ =	sdelay $0x3  }
0x279: {  	s15 =	simm.s32 $0xD200  }
0x27a: {  	[tilespmem:s15], [sflag:$0x2] =	stream.indirect_vreg.gather [hbm4b:s1+s3], $0x80, v13, vm1, $0xb8;
	[tilespmem:$0x19200] =	vst v63  }
0x27b: {  	s16 =	simm.s32 $0xDA00;
	v12 =	vperm.xlane v12, v11  }
0x27c: {  	[tilespmem:s16], [sflag:$0x2] =	stream.indirect_vreg.gather [hbm4b:s6+s3], $0x80, v13, vm1, $0xb8;
	[tilespmem:$0x19200] =	vst v63  }
0x27d: {  	s17 =	simm.s32 $0xE200;
	v12 =	vadd.s32 v10, v12  }
0x27e: {  	[tilespmem:s17], [sflag:$0x2] =	stream.indirect_vreg.gather [hbm4b:s7+s3], $0x80, v13, vm1, $0xb8;
	[tilespmem:$0x19200] =	vst v63  }
0x27f: {  	s19 =	simm.s32 $0xEA00  }
0x280: {  	[tilespmem:s19], [sflag:$0x2] =	stream.indirect_vreg.gather [hbm4b:s9+s3], $0x80, v13, vm1, $0xb8;
	[tilespmem:$0x19200] =	vst v63  }
0x281: {  	s21 =	simm.s32 $0xF200  }
0x282: {  	[tilespmem:s21], [sflag:$0x2] =	stream.indirect_vreg.gather [hbm4b:s1+s3], $0x80, v12, vm1, $0xb8;
	[tilespmem:$0x19200] =	vst v63  }
0x283: {  	s28 =	simm.s32 $0xFA00  }
0x284: {  	[tilespmem:s28], [sflag:$0x2] =	stream.indirect_vreg.gather [hbm4b:s6+s3], $0x80, v12, vm1, $0xb8;
	[tilespmem:$0x19200] =	vst v63  }
0x285: {  	s10 =	simm.s32 $0x10200  }
0x286: {  	[tilespmem:s10], [sflag:$0x2] =	stream.indirect_vreg.gather [hbm4b:s7+s3], $0x80, v12, vm1, $0xb8;
	[tilespmem:$0x19200] =	vst v63  }
0x287: {  	s11 =	simm.s32 $0x10A00  }
0x288: {  	[tilespmem:s11], [sflag:$0x2] =	stream.indirect_vreg.gather [hbm4b:s9+s3], $0x80, v12, vm1, $0xb8;
	[tilespmem:$0x19200] =	vst v63  }
0x289: {  	_ =	swait.ge [sflag:s20], $0x8000  }
0x28a: {  	[sflag:s20] =	ssyncset.done $0x0  }
0x28b: {  	s12 =	rddreg [dreg:$0xd];
	[sflag:s20] =	ssyncadd.s32 $0xFFFF8000  }
0x28c: {  	[hbm4b:s12+s3] =	stream.linear.scatter [tilespmem:s29], [sflag:$0x6], $0x8000, $0x38;
	[tilespmem:$0x19200] =	vst v63  }
0x28d: {  	_ =	swait.ge [sflag:s8], $0x8000  }
0x28e: {  	[sflag:s8] =	ssyncset.done $0x0  }
0x28f: {  	[sflag:s8] =	ssyncadd.s32 $0xFFFF8000  }
0x290: {  	v49 =	vld [tilespmem:$0x1160];
	_ =	sdelay $0x4  }
0x291: {  	v50 =	vshll.u32 v49, $0x3  }
0x292: {  	v12 =	vand.u32 $0x7, v49;
	v13 =	vand.u32 $0xFFFFFFC0, v50  }
0x293: {  	v12 =	vor.u32 v12, v13  }
0x294: {  	v13 =	vperm.xlane v12, v9;
	_ =	sdelay $0x1  }
0x295: {  	v13 =	vadd.s32 v10, v13;
	_ =	sdelay $0x4  }
0x296: {  	[tilespmem:s29], [sflag:$0x3] =	stream.indirect_vreg.gather [hbm4b:s1+s3], $0x80, v13, vm1, $0xb8;
	[tilespmem:$0x19200] =	vst v63  }
0x297: {  	s13 =	simm.s32 $0x11A00;
	v12 =	vperm.xlane v12, v11  }
0x298: {  	[tilespmem:s13], [sflag:$0x3] =	stream.indirect_vreg.gather [hbm4b:s6+s3], $0x80, v13, vm1, $0xb8;
	[tilespmem:$0x19200] =	vst v63  }
0x299: {  	s18 =	simm.s32 $0x12200;
	v12 =	vadd.s32 v10, v12  }
0x29a: {  	[tilespmem:s18], [sflag:$0x3] =	stream.indirect_vreg.gather [hbm4b:s7+s3], $0x80, v13, vm1, $0xb8;
	[tilespmem:$0x19200] =	vst v63  }
0x29b: {  	s14 =	simm.s32 $0x12A00  }
0x29c: {  	[tilespmem:s14], [sflag:$0x3] =	stream.indirect_vreg.gather [hbm4b:s9+s3], $0x80, v13, vm1, $0xb8;
	[tilespmem:$0x19200] =	vst v63  }
0x29d: {  	s15 =	simm.s32 $0x13200  }
0x29e: {  	[tilespmem:s15], [sflag:$0x3] =	stream.indirect_vreg.gather [hbm4b:s1+s3], $0x80, v12, vm1, $0xb8;
	[tilespmem:$0x19200] =	vst v63  }
0x29f: {  	s16 =	simm.s32 $0x13A00  }
0x2a0: {  	[tilespmem:s16], [sflag:$0x3] =	stream.indirect_vreg.gather [hbm4b:s6+s3], $0x80, v12, vm1, $0xb8;
	[tilespmem:$0x19200] =	vst v63  }
0x2a1: {  	s17 =	simm.s32 $0x14200  }
0x2a2: {  	[tilespmem:s17], [sflag:$0x3] =	stream.indirect_vreg.gather [hbm4b:s7+s3], $0x80, v12, vm1, $0xb8;
	[tilespmem:$0x19200] =	vst v63  }
0x2a3: {  	s19 =	simm.s32 $0x14A00  }
0x2a4: {  	[tilespmem:s19], [sflag:$0x3] =	stream.indirect_vreg.gather [hbm4b:s9+s3], $0x80, v12, vm1, $0xb8;
	[tilespmem:$0x19200] =	vst v63  }
0x2a5: {  	v12 =	vld [tilespmem:$0x1170];
	_ =	sdelay $0x4  }
0x2a6: {  	v51 =	vshll.u32 v12, $0x3  }
0x2a7: {  	v12 =	vand.u32 $0x7, v12;
	v13 =	vand.u32 $0xFFFFFFC0, v51  }
0x2a8: {  	v12 =	vor.u32 v12, v13  }
0x2a9: {  	v13 =	vperm.xlane v12, v9;
	_ =	sdelay $0x1  }
0x2aa: {  	v13 =	vadd.s32 v10, v13;
	_ =	sdelay $0x3  }
0x2ab: {  	s21 =	simm.s32 $0x15200  }
0x2ac: {  	[tilespmem:s21], [sflag:$0x3] =	stream.indirect_vreg.gather [hbm4b:s1+s3], $0x80, v13, vm1, $0xb8;
	[tilespmem:$0x19200] =	vst v63  }
0x2ad: {  	s28 =	simm.s32 $0x15A00;
	v12 =	vperm.xlane v12, v11  }
0x2ae: {  	[tilespmem:s28], [sflag:$0x3] =	stream.indirect_vreg.gather [hbm4b:s6+s3], $0x80, v13, vm1, $0xb8;
	[tilespmem:$0x19200] =	vst v63  }
0x2af: {  	s14 =	simm.s32 $0x16200;
	v12 =	vadd.s32 v10, v12  }
0x2b0: {  	[tilespmem:s14], [sflag:$0x3] =	stream.indirect_vreg.gather [hbm4b:s7+s3], $0x80, v13, vm1, $0xb8;
	[tilespmem:$0x19200] =	vst v63  }
0x2b1: {  	s15 =	simm.s32 $0x16A00  }
0x2b2: {  	[tilespmem:s15], [sflag:$0x3] =	stream.indirect_vreg.gather [hbm4b:s9+s3], $0x80, v13, vm1, $0xb8;
	[tilespmem:$0x19200] =	vst v63  }
0x2b3: {  	s16 =	simm.s32 $0x17200  }
0x2b4: {  	[tilespmem:s16], [sflag:$0x3] =	stream.indirect_vreg.gather [hbm4b:s1+s3], $0x80, v12, vm1, $0xb8;
	[tilespmem:$0x19200] =	vst v63  }
0x2b5: {  	s17 =	simm.s32 $0x17A00  }
0x2b6: {  	[tilespmem:s17], [sflag:$0x3] =	stream.indirect_vreg.gather [hbm4b:s6+s3], $0x80, v12, vm1, $0xb8;
	[tilespmem:$0x19200] =	vst v63  }
0x2b7: {  	s19 =	simm.s32 $0x18200  }
0x2b8: {  	[tilespmem:s19], [sflag:$0x3] =	stream.indirect_vreg.gather [hbm4b:s7+s3], $0x80, v12, vm1, $0xb8;
	[tilespmem:$0x19200] =	vst v63  }
0x2b9: {  	s21 =	simm.s32 $0x18A00  }
0x2ba: {  	[tilespmem:s21], [sflag:$0x3] =	stream.indirect_vreg.gather [hbm4b:s9+s3], $0x80, v12, vm1, $0xb8;
	[tilespmem:$0x19200] =	vst v63  }
0x2bb: {  	_ =	swait.ge [sflag:s23], $0x8000  }
0x2bc: {  	[sflag:s23] =	ssyncset.done $0x0  }
0x2bd: {  	s28 =	rddreg [dreg:$0xe];
	[sflag:s23] =	ssyncadd.s32 $0xFFFF8000  }
0x2be: {  	[hbm4b:s28+s3] =	stream.linear.scatter [tilespmem:s22], [sflag:$0x4], $0x8000, $0x38;
	[tilespmem:$0x19200] =	vst v63  }
0x2bf: {  	_ =	swait.ge [sflag:s24], $0x8000  }
0x2c0: {  	[sflag:s24] =	ssyncset.done $0x0  }
0x2c1: {  	[sflag:s24] =	ssyncadd.s32 $0xFFFF8000  }
0x2c2: {  	v52 =	vld [tilespmem:$0x1180];
	_ =	sdelay $0x4  }
0x2c3: {  	v53 =	vshll.u32 v52, $0x3  }
0x2c4: {  	v12 =	vand.u32 $0x7, v52;
	v13 =	vand.u32 $0xFFFFFFC0, v53  }
0x2c5: {  	v12 =	vor.u32 v12, v13  }
0x2c6: {  	v13 =	vperm.xlane v12, v9;
	_ =	sdelay $0x1  }
0x2c7: {  	v13 =	vadd.s32 v10, v13;
	_ =	sdelay $0x4  }
0x2c8: {  	[tilespmem:s22], [sflag:$0x1] =	stream.indirect_vreg.gather [hbm4b:s1+s3], $0x80, v13, vm1, $0xb8;
	[tilespmem:$0x19200] =	vst v63  }
0x2c9: {  	s21 =	simm.s32 $0x1A00;
	v12 =	vperm.xlane v12, v11  }
0x2ca: {  	[tilespmem:s21], [sflag:$0x1] =	stream.indirect_vreg.gather [hbm4b:s6+s3], $0x80, v13, vm1, $0xb8;
	[tilespmem:$0x19200] =	vst v63  }
0x2cb: {  	s28 =	simm.s32 $0x2200;
	v12 =	vadd.s32 v10, v12  }
0x2cc: {  	[tilespmem:s28], [sflag:$0x1] =	stream.indirect_vreg.gather [hbm4b:s7+s3], $0x80, v13, vm1, $0xb8;
	[tilespmem:$0x19200] =	vst v63  }
0x2cd: {  	s30 =	simm.s32 $0x2A00  }
0x2ce: {  	[tilespmem:s30], [sflag:$0x1] =	stream.indirect_vreg.gather [hbm4b:s9+s3], $0x80, v13, vm1, $0xb8;
	[tilespmem:$0x19200] =	vst v63  }
0x2cf: {  	s31 =	simm.s32 $0x3200  }
0x2d0: {  	[tilespmem:s31], [sflag:$0x1] =	stream.indirect_vreg.gather [hbm4b:s1+s3], $0x80, v12, vm1, $0xb8;
	[tilespmem:$0x19200] =	vst v63  }
0x2d1: {  	s31 =	simm.s32 $0x3A00  }
0x2d2: {  	[tilespmem:s31], [sflag:$0x1] =	stream.indirect_vreg.gather [hbm4b:s6+s3], $0x80, v12, vm1, $0xb8;
	[tilespmem:$0x19200] =	vst v63  }
0x2d3: {  	s0 =	simm.s32 $0x4200  }
0x2d4: {  	[tilespmem:s0], [sflag:$0x1] =	stream.indirect_vreg.gather [hbm4b:s7+s3], $0x80, v12, vm1, $0xb8;
	[tilespmem:$0x19200] =	vst v63  }
0x2d5: {  	s0 =	simm.s32 $0x4A00  }
0x2d6: {  	[tilespmem:s0], [sflag:$0x1] =	stream.indirect_vreg.gather [hbm4b:s9+s3], $0x80, v12, vm1, $0xb8;
	[tilespmem:$0x19200] =	vst v63  }
0x2d7: {  	v12 =	vld [tilespmem:$0x1190];
	_ =	sdelay $0x4  }
0x2d8: {  	v54 =	vshll.u32 v12, $0x3  }
0x2d9: {  	v12 =	vand.u32 $0x7, v12;
	v13 =	vand.u32 $0xFFFFFFC0, v54  }
0x2da: {  	v12 =	vor.u32 v12, v13  }
0x2db: {  	v13 =	vperm.xlane v12, v9;
	_ =	sdelay $0x1  }
0x2dc: {  	v13 =	vadd.s32 v10, v13;
	_ =	sdelay $0x3  }
0x2dd: {  	s0 =	simm.s32 $0x5200  }
0x2de: {  	[tilespmem:s0], [sflag:$0x1] =	stream.indirect_vreg.gather [hbm4b:s1+s3], $0x80, v13, vm1, $0xb8;
	[tilespmem:$0x19200] =	vst v63  }
0x2df: {  	v12 =	vperm.xlane v12, v11;
	s0 =	simm.s32 $0x5A00  }
0x2e0: {  	[tilespmem:s0], [sflag:$0x1] =	stream.indirect_vreg.gather [hbm4b:s6+s3], $0x80, v13, vm1, $0xb8;
	[tilespmem:$0x19200] =	vst v63  }
0x2e1: {  	v12 =	vadd.s32 v10, v12;
	s0 =	simm.s32 $0x6200  }
0x2e2: {  	[tilespmem:s0], [sflag:$0x1] =	stream.indirect_vreg.gather [hbm4b:s7+s3], $0x80, v13, vm1, $0xb8;
	[tilespmem:$0x19200] =	vst v63  }
0x2e3: {  	s0 =	simm.s32 $0x6A00  }
0x2e4: {  	[tilespmem:s0], [sflag:$0x1] =	stream.indirect_vreg.gather [hbm4b:s9+s3], $0x80, v13, vm1, $0xb8;
	[tilespmem:$0x19200] =	vst v63  }
0x2e5: {  	s0 =	simm.s32 $0x7200  }
0x2e6: {  	[tilespmem:s0], [sflag:$0x1] =	stream.indirect_vreg.gather [hbm4b:s1+s3], $0x80, v12, vm1, $0xb8;
	[tilespmem:$0x19200] =	vst v63  }
0x2e7: {  	s0 =	simm.s32 $0x7A00  }
0x2e8: {  	[tilespmem:s0], [sflag:$0x1] =	stream.indirect_vreg.gather [hbm4b:s6+s3], $0x80, v12, vm1, $0xb8;
	[tilespmem:$0x19200] =	vst v63  }
0x2e9: {  	s0 =	simm.s32 $0x8200  }
0x2ea: {  	[tilespmem:s0], [sflag:$0x1] =	stream.indirect_vreg.gather [hbm4b:s7+s3], $0x80, v12, vm1, $0xb8;
	[tilespmem:$0x19200] =	vst v63  }
0x2eb: {  	s0 =	simm.s32 $0x8A00  }
0x2ec: {  	[tilespmem:s0], [sflag:$0x1] =	stream.indirect_vreg.gather [hbm4b:s9+s3], $0x80, v12, vm1, $0xb8;
	[tilespmem:$0x19200] =	vst v63  }
0x2ed: {  	_ =	swait.ge [sflag:s25], $0x8000  }
0x2ee: {  	[sflag:s25] =	ssyncset.done $0x0  }
0x2ef: {  	s0 =	rddreg [dreg:$0xf];
	[sflag:s25] =	ssyncadd.s32 $0xFFFF8000  }
0x2f0: {  	[hbm4b:s0+s3] =	stream.linear.scatter [tilespmem:s2], [sflag:$0x5], $0x8000, $0x38;
	[tilespmem:$0x19200] =	vst v63  }
0x2f1: {  	_ =	swait.ge [sflag:s26], $0x8000  }
0x2f2: {  	[sflag:s26] =	ssyncset.done $0x0  }
0x2f3: {  	[sflag:s26] =	ssyncadd.s32 $0xFFFF8000  }
0x2f4: {  	v55 =	vld [tilespmem:$0x11A0];
	_ =	sdelay $0x4  }
0x2f5: {  	v56 =	vshll.u32 v55, $0x3  }
0x2f6: {  	v12 =	vand.u32 $0x7, v55;
	v13 =	vand.u32 $0xFFFFFFC0, v56  }
0x2f7: {  	v12 =	vor.u32 v12, v13  }
0x2f8: {  	v13 =	vperm.xlane v12, v9;
	_ =	sdelay $0x1  }
0x2f9: {  	v13 =	vadd.s32 v10, v13;
	_ =	sdelay $0x4  }
0x2fa: {  	[tilespmem:s2], [sflag:$0x2] =	stream.indirect_vreg.gather [hbm4b:s1+s3], $0x80, v13, vm1, $0xb8;
	[tilespmem:$0x19200] =	vst v63  }
0x2fb: {  	s0 =	simm.s32 $0x9A00;
	v12 =	vperm.xlane v12, v11  }
0x2fc: {  	[tilespmem:s0], [sflag:$0x2] =	stream.indirect_vreg.gather [hbm4b:s6+s3], $0x80, v13, vm1, $0xb8;
	[tilespmem:$0x19200] =	vst v63  }
0x2fd: {  	v12 =	vadd.s32 v10, v12;
	s0 =	simm.s32 $0xA200  }
0x2fe: {  	[tilespmem:s0], [sflag:$0x2] =	stream.indirect_vreg.gather [hbm4b:s7+s3], $0x80, v13, vm1, $0xb8;
	[tilespmem:$0x19200] =	vst v63  }
0x2ff: {  	s0 =	simm.s32 $0xAA00  }
0x300: {  	[tilespmem:s0], [sflag:$0x2] =	stream.indirect_vreg.gather [hbm4b:s9+s3], $0x80, v13, vm1, $0xb8;
	[tilespmem:$0x19200] =	vst v63  }
0x301: {  	s0 =	simm.s32 $0xB200  }
0x302: {  	[tilespmem:s0], [sflag:$0x2] =	stream.indirect_vreg.gather [hbm4b:s1+s3], $0x80, v12, vm1, $0xb8;
	[tilespmem:$0x19200] =	vst v63  }
0x303: {  	s0 =	simm.s32 $0xBA00  }
0x304: {  	[tilespmem:s0], [sflag:$0x2] =	stream.indirect_vreg.gather [hbm4b:s6+s3], $0x80, v12, vm1, $0xb8;
	[tilespmem:$0x19200] =	vst v63  }
0x305: {  	s0 =	simm.s32 $0xC200  }
0x306: {  	[tilespmem:s0], [sflag:$0x2] =	stream.indirect_vreg.gather [hbm4b:s7+s3], $0x80, v12, vm1, $0xb8;
	[tilespmem:$0x19200] =	vst v63  }
0x307: {  	s0 =	simm.s32 $0xCA00  }
0x308: {  	[tilespmem:s0], [sflag:$0x2] =	stream.indirect_vreg.gather [hbm4b:s9+s3], $0x80, v12, vm1, $0xb8;
	[tilespmem:$0x19200] =	vst v63  }
0x309: {  	v12 =	vld [tilespmem:$0x11B0];
	_ =	sdelay $0x4  }
0x30a: {  	v57 =	vshll.u32 v12, $0x3  }
0x30b: {  	v12 =	vand.u32 $0x7, v12;
	v13 =	vand.u32 $0xFFFFFFC0, v57  }
0x30c: {  	v12 =	vor.u32 v12, v13  }
0x30d: {  	v13 =	vperm.xlane v12, v9;
	_ =	sdelay $0x1  }
0x30e: {  	v13 =	vadd.s32 v10, v13;
	_ =	sdelay $0x3  }
0x30f: {  	s0 =	simm.s32 $0xD200  }
0x310: {  	[tilespmem:s0], [sflag:$0x2] =	stream.indirect_vreg.gather [hbm4b:s1+s3], $0x80, v13, vm1, $0xb8;
	[tilespmem:$0x19200] =	vst v63  }
0x311: {  	v12 =	vperm.xlane v12, v11;
	s0 =	simm.s32 $0xDA00  }
0x312: {  	[tilespmem:s0], [sflag:$0x2] =	stream.indirect_vreg.gather [hbm4b:s6+s3], $0x80, v13, vm1, $0xb8;
	[tilespmem:$0x19200] =	vst v63  }
0x313: {  	v12 =	vadd.s32 v10, v12;
	s0 =	simm.s32 $0xE200  }
0x314: {  	[tilespmem:s0], [sflag:$0x2] =	stream.indirect_vreg.gather [hbm4b:s7+s3], $0x80, v13, vm1, $0xb8;
	[tilespmem:$0x19200] =	vst v63  }
0x315: {  	s0 =	simm.s32 $0xEA00  }
0x316: {  	[tilespmem:s0], [sflag:$0x2] =	stream.indirect_vreg.gather [hbm4b:s9+s3], $0x80, v13, vm1, $0xb8;
	[tilespmem:$0x19200] =	vst v63  }
0x317: {  	s0 =	simm.s32 $0xF200  }
0x318: {  	[tilespmem:s0], [sflag:$0x2] =	stream.indirect_vreg.gather [hbm4b:s1+s3], $0x80, v12, vm1, $0xb8;
	[tilespmem:$0x19200] =	vst v63  }
0x319: {  	s0 =	simm.s32 $0xFA00  }
0x31a: {  	[tilespmem:s0], [sflag:$0x2] =	stream.indirect_vreg.gather [hbm4b:s6+s3], $0x80, v12, vm1, $0xb8;
	[tilespmem:$0x19200] =	vst v63  }
0x31b: {  	s0 =	simm.s32 $0x10200  }
0x31c: {  	[tilespmem:s0], [sflag:$0x2] =	stream.indirect_vreg.gather [hbm4b:s7+s3], $0x80, v12, vm1, $0xb8;
	[tilespmem:$0x19200] =	vst v63  }
0x31d: {  	s0 =	simm.s32 $0x10A00  }
0x31e: {  	[tilespmem:s0], [sflag:$0x2] =	stream.indirect_vreg.gather [hbm4b:s9+s3], $0x80, v12, vm1, $0xb8;
	[tilespmem:$0x19200] =	vst v63  }
0x31f: {  	_ =	swait.ge [sflag:s20], $0x8000  }
0x320: {  	[sflag:s20] =	ssyncset.done $0x0  }
0x321: {  	s0 =	rddreg [dreg:$0x11];
	[sflag:s20] =	ssyncadd.s32 $0xFFFF8000  }
0x322: {  	[hbm4b:s0+s3] =	stream.linear.scatter [tilespmem:s29], [sflag:$0x6], $0x8000, $0x38;
	[tilespmem:$0x19200] =	vst v63  }
0x323: {  	_ =	swait.ge [sflag:s8], $0x8000  }
0x324: {  	[sflag:s8] =	ssyncset.done $0x0  }
0x325: {  	[sflag:s8] =	ssyncadd.s32 $0xFFFF8000  }
0x326: {  	v58 =	vld [tilespmem:$0x11C0];
	_ =	sdelay $0x4  }
0x327: {  	v59 =	vshll.u32 v58, $0x3  }
0x328: {  	v12 =	vand.u32 $0x7, v58;
	v13 =	vand.u32 $0xFFFFFFC0, v59  }
0x329: {  	v12 =	vor.u32 v12, v13  }
0x32a: {  	v13 =	vperm.xlane v12, v9;
	_ =	sdelay $0x1  }
0x32b: {  	v13 =	vadd.s32 v10, v13;
	_ =	sdelay $0x4  }
0x32c: {  	[tilespmem:s29], [sflag:$0x3] =	stream.indirect_vreg.gather [hbm4b:s1+s3], $0x80, v13, vm1, $0xb8;
	[tilespmem:$0x19200] =	vst v63  }
0x32d: {  	s0 =	simm.s32 $0x11A00;
	v12 =	vperm.xlane v12, v11  }
0x32e: {  	[tilespmem:s0], [sflag:$0x3] =	stream.indirect_vreg.gather [hbm4b:s6+s3], $0x80, v13, vm1, $0xb8;
	[tilespmem:$0x19200] =	vst v63  }
0x32f: {  	s11 =	simm.s32 $0x12200;
	v12 =	vadd.s32 v10, v12  }
0x330: {  	[tilespmem:s11], [sflag:$0x3] =	stream.indirect_vreg.gather [hbm4b:s7+s3], $0x80, v13, vm1, $0xb8;
	[tilespmem:$0x19200] =	vst v63  }
0x331: {  	s18 =	simm.s32 $0x12A00  }
0x332: {  	[tilespmem:s18], [sflag:$0x3] =	stream.indirect_vreg.gather [hbm4b:s9+s3], $0x80, v13, vm1, $0xb8;
	[tilespmem:$0x19200] =	vst v63  }
0x333: {  	s10 =	simm.s32 $0x13200  }
0x334: {  	[tilespmem:s10], [sflag:$0x3] =	stream.indirect_vreg.gather [hbm4b:s1+s3], $0x80, v12, vm1, $0xb8;
	[tilespmem:$0x19200] =	vst v63  }
0x335: {  	s12 =	simm.s32 $0x13A00  }
0x336: {  	[tilespmem:s12], [sflag:$0x3] =	stream.indirect_vreg.gather [hbm4b:s6+s3], $0x80, v12, vm1, $0xb8;
	[tilespmem:$0x19200] =	vst v63  }
0x337: {  	s13 =	simm.s32 $0x14200  }
0x338: {  	[tilespmem:s13], [sflag:$0x3] =	stream.indirect_vreg.gather [hbm4b:s7+s3], $0x80, v12, vm1, $0xb8;
	[tilespmem:$0x19200] =	vst v63  }
0x339: {  	s11 =	simm.s32 $0x14A00  }
0x33a: {  	[tilespmem:s11], [sflag:$0x3] =	stream.indirect_vreg.gather [hbm4b:s9+s3], $0x80, v12, vm1, $0xb8;
	[tilespmem:$0x19200] =	vst v63  }
0x33b: {  	v12 =	vld [tilespmem:$0x11D0];
	_ =	sdelay $0x4  }
0x33c: {  	v60 =	vshll.u32 v12, $0x3  }
0x33d: {  	v12 =	vand.u32 $0x7, v12;
	v13 =	vand.u32 $0xFFFFFFC0, v60  }
0x33e: {  	v12 =	vor.u32 v12, v13  }
0x33f: {  	v13 =	vperm.xlane v12, v9;
	_ =	sdelay $0x1  }
0x340: {  	v13 =	vadd.s32 v10, v13;
	_ =	sdelay $0x3  }
0x341: {  	s12 =	simm.s32 $0x15200  }
0x342: {  	[tilespmem:s12], [sflag:$0x3] =	stream.indirect_vreg.gather [hbm4b:s1+s3], $0x80, v13, vm1, $0xb8;
	[tilespmem:$0x19200] =	vst v63  }
0x343: {  	s13 =	simm.s32 $0x15A00;
	v12 =	vperm.xlane v12, v11  }
0x344: {  	[tilespmem:s13], [sflag:$0x3] =	stream.indirect_vreg.gather [hbm4b:s6+s3], $0x80, v13, vm1, $0xb8;
	[tilespmem:$0x19200] =	vst v63  }
0x345: {  	s14 =	simm.s32 $0x16200;
	v12 =	vadd.s32 v10, v12  }
0x346: {  	[tilespmem:s14], [sflag:$0x3] =	stream.indirect_vreg.gather [hbm4b:s7+s3], $0x80, v13, vm1, $0xb8;
	[tilespmem:$0x19200] =	vst v63  }
0x347: {  	s15 =	simm.s32 $0x16A00  }
0x348: {  	[tilespmem:s15], [sflag:$0x3] =	stream.indirect_vreg.gather [hbm4b:s9+s3], $0x80, v13, vm1, $0xb8;
	[tilespmem:$0x19200] =	vst v63  }
0x349: {  	s16 =	simm.s32 $0x17200  }
0x34a: {  	[tilespmem:s16], [sflag:$0x3] =	stream.indirect_vreg.gather [hbm4b:s1+s3], $0x80, v12, vm1, $0xb8;
	[tilespmem:$0x19200] =	vst v63  }
0x34b: {  	s17 =	simm.s32 $0x17A00  }
0x34c: {  	[tilespmem:s17], [sflag:$0x3] =	stream.indirect_vreg.gather [hbm4b:s6+s3], $0x80, v12, vm1, $0xb8;
	[tilespmem:$0x19200] =	vst v63  }
0x34d: {  	s19 =	simm.s32 $0x18200  }
0x34e: {  	[tilespmem:s19], [sflag:$0x3] =	stream.indirect_vreg.gather [hbm4b:s7+s3], $0x80, v12, vm1, $0xb8;
	[tilespmem:$0x19200] =	vst v63  }
0x34f: {  	s17 =	simm.s32 $0x18A00  }
0x350: {  	[tilespmem:s17], [sflag:$0x3] =	stream.indirect_vreg.gather [hbm4b:s9+s3], $0x80, v12, vm1, $0xb8;
	[tilespmem:$0x19200] =	vst v63  }
0x351: {  	_ =	swait.ge [sflag:s23], $0x8000  }
0x352: {  	[sflag:s23] =	ssyncset.done $0x0  }
0x353: {  	s18 =	rddreg [dreg:$0x12];
	[sflag:s23] =	ssyncadd.s32 $0xFFFF8000  }
0x354: {  	[hbm4b:s18+s3] =	stream.linear.scatter [tilespmem:s22], [sflag:$0x4], $0x8000, $0x38;
	[tilespmem:$0x19200] =	vst v63  }
0x355: {  	_ =	swait.ge [sflag:s24], $0x8000  }
0x356: {  	[sflag:s24] =	ssyncset.done $0x0  }
0x357: {  	[sflag:s24] =	ssyncadd.s32 $0xFFFF8000  }
0x358: {  	v61 =	vld [tilespmem:$0x11E0];
	_ =	sdelay $0x4  }
0x359: {  	v62 =	vshll.u32 v61, $0x3  }
0x35a: {  	v12 =	vand.u32 $0x7, v61;
	v13 =	vand.u32 $0xFFFFFFC0, v62  }
0x35b: {  	v12 =	vor.u32 v12, v13  }
0x35c: {  	v13 =	vperm.xlane v12, v9;
	_ =	sdelay $0x1  }
0x35d: {  	v13 =	vadd.s32 v10, v13;
	_ =	sdelay $0x4  }
0x35e: {  	[tilespmem:s22], [sflag:$0x1] =	stream.indirect_vreg.gather [hbm4b:s1+s3], $0x80, v13, vm1, $0xb8;
	[tilespmem:$0x19200] =	vst v63  }
0x35f: {  	s19 =	simm.s32 $0x1A00;
	v12 =	vperm.xlane v12, v11  }
0x360: {  	[tilespmem:s19], [sflag:$0x1] =	stream.indirect_vreg.gather [hbm4b:s6+s3], $0x80, v13, vm1, $0xb8;
	[tilespmem:$0x19200] =	vst v63  }
0x361: {  	s21 =	simm.s32 $0x2200;
	v12 =	vadd.s32 v10, v12  }
0x362: {  	[tilespmem:s21], [sflag:$0x1] =	stream.indirect_vreg.gather [hbm4b:s7+s3], $0x80, v13, vm1, $0xb8;
	[tilespmem:$0x19200] =	vst v63  }
0x363: {  	s28 =	simm.s32 $0x2A00  }
0x364: {  	[tilespmem:s28], [sflag:$0x1] =	stream.indirect_vreg.gather [hbm4b:s9+s3], $0x80, v13, vm1, $0xb8;
	[tilespmem:$0x19200] =	vst v63  }
0x365: {  	s30 =	simm.s32 $0x3200  }
0x366: {  	[tilespmem:s30], [sflag:$0x1] =	stream.indirect_vreg.gather [hbm4b:s1+s3], $0x80, v12, vm1, $0xb8;
	[tilespmem:$0x19200] =	vst v63  }
0x367: {  	s31 =	simm.s32 $0x3A00  }
0x368: {  	[tilespmem:s31], [sflag:$0x1] =	stream.indirect_vreg.gather [hbm4b:s6+s3], $0x80, v12, vm1, $0xb8;
	[tilespmem:$0x19200] =	vst v63  }
0x369: {  	s10 =	simm.s32 $0x4200  }
0x36a: {  	[tilespmem:s10], [sflag:$0x1] =	stream.indirect_vreg.gather [hbm4b:s7+s3], $0x80, v12, vm1, $0xb8;
	[tilespmem:$0x19200] =	vst v63  }
0x36b: {  	s11 =	simm.s32 $0x4A00  }
0x36c: {  	[tilespmem:s11], [sflag:$0x1] =	stream.indirect_vreg.gather [hbm4b:s9+s3], $0x80, v12, vm1, $0xb8;
	[tilespmem:$0x19200] =	vst v63  }
0x36d: {  	v12 =	vld [tilespmem:$0x11F0];
	_ =	sdelay $0x4  }
0x36e: {  	v63 =	vshll.u32 v12, $0x3  }
0x36f: {  	v12 =	vand.u32 $0x7, v12;
	v13 =	vand.u32 $0xFFFFFFC0, v63  }
0x370: {  	v12 =	vor.u32 v12, v13  }
0x371: {  	v13 =	vperm.xlane v12, v9;
	_ =	sdelay $0x1  }
0x372: {  	v13 =	vadd.s32 v10, v13;
	_ =	sdelay $0x3  }
0x373: {  	s12 =	simm.s32 $0x5200  }
0x374: {  	[tilespmem:s12], [sflag:$0x1] =	stream.indirect_vreg.gather [hbm4b:s1+s3], $0x80, v13, vm1, $0xb8;
	[tilespmem:$0x19200] =	vst v63  }
0x375: {  	s13 =	simm.s32 $0x5A00;
	v12 =	vperm.xlane v12, v11  }
0x376: {  	[tilespmem:s13], [sflag:$0x1] =	stream.indirect_vreg.gather [hbm4b:s6+s3], $0x80, v13, vm1, $0xb8;
	[tilespmem:$0x19200] =	vst v63  }
0x377: {  	s14 =	simm.s32 $0x6200;
	v12 =	vadd.s32 v10, v12  }
0x378: {  	[tilespmem:s14], [sflag:$0x1] =	stream.indirect_vreg.gather [hbm4b:s7+s3], $0x80, v13, vm1, $0xb8;
	[tilespmem:$0x19200] =	vst v63  }
0x379: {  	s15 =	simm.s32 $0x6A00  }
0x37a: {  	[tilespmem:s15], [sflag:$0x1] =	stream.indirect_vreg.gather [hbm4b:s9+s3], $0x80, v13, vm1, $0xb8;
	[tilespmem:$0x19200] =	vst v63  }
0x37b: {  	s16 =	simm.s32 $0x7200  }
0x37c: {  	[tilespmem:s16], [sflag:$0x1] =	stream.indirect_vreg.gather [hbm4b:s1+s3], $0x80, v12, vm1, $0xb8;
	[tilespmem:$0x19200] =	vst v63  }
0x37d: {  	s17 =	simm.s32 $0x7A00  }
0x37e: {  	[tilespmem:s17], [sflag:$0x1] =	stream.indirect_vreg.gather [hbm4b:s6+s3], $0x80, v12, vm1, $0xb8;
	[tilespmem:$0x19200] =	vst v63  }
0x37f: {  	s18 =	simm.s32 $0x8200  }
0x380: {  	[tilespmem:s18], [sflag:$0x1] =	stream.indirect_vreg.gather [hbm4b:s7+s3], $0x80, v12, vm1, $0xb8;
	[tilespmem:$0x19200] =	vst v63  }
0x381: {  	s19 =	simm.s32 $0x8A00  }
0x382: {  	[tilespmem:s19], [sflag:$0x1] =	stream.indirect_vreg.gather [hbm4b:s9+s3], $0x80, v12, vm1, $0xb8;
	[tilespmem:$0x19200] =	vst v63  }
0x383: {  	_ =	swait.ge [sflag:s25], $0x8000  }
0x384: {  	[sflag:s25] =	ssyncset.done $0x0  }
0x385: {  	s21 =	rddreg [dreg:$0x13];
	[sflag:s25] =	ssyncadd.s32 $0xFFFF8000  }
0x386: {  	[hbm4b:s21+s3] =	stream.linear.scatter [tilespmem:s2], [sflag:$0x5], $0x8000, $0x38;
	[tilespmem:$0x19200] =	vst v63  }
0x387: {  	_ =	swait.ge [sflag:s20], $0x8000  }
0x388: {  	[sflag:s20] =	ssyncset.done $0x0  }
0x389: {  	s28 =	rddreg [dreg:$0x14];
	[sflag:s20] =	ssyncadd.s32 $0xFFFF8000  }
0x38a: {  	[hbm4b:s28+s3] =	stream.linear.scatter [tilespmem:s29], [sflag:$0x6], $0x8000, $0x38;
	[tilespmem:$0x19200] =	vst v63  }
0x38b: {  	_ =	swait.ge [sflag:s23], $0x8000  }
0x38c: {  	[sflag:s23] =	ssyncset.done $0x0  }
0x38d: {  	s30 =	rddreg [dreg:$0x16];
	[sflag:s23] =	ssyncadd.s32 $0xFFFF8000  }
0x38e: {  	[hbm4b:s30+s3] =	stream.linear.scatter [tilespmem:s22], [sflag:$0x4], $0x8000, $0x38;
	[tilespmem:$0x19200] =	vst v63  }
0x38f: {  	_ =	swait.ge [sflag:s26], $0x8000  }
0x390: {  	[sflag:s26] =	ssyncset.done $0x0  }
0x391: {  	[sflag:s26] =	ssyncadd.s32 $0xFFFF8000  }
0x392: {  	_ =	swait.ge [sflag:s8], $0x8000  }
0x393: {  	[sflag:s8] =	ssyncset.done $0x0  }
0x394: {  	[sflag:s8] =	ssyncadd.s32 $0xFFFF8000  }
0x395: {  	_ =	swait.ge [sflag:s24], $0x8000  }
0x396: {  	s4 =	sadd.s32 $0x1, s4;
	s31 =	rddreg [dreg:$0x15]  }
0x397: {  	p2 =	sne.s32 s4, s31  }
.Ltmp4:
0x398: {  	_ = 	snop;
	(pc) =	sbr.rel @p2 .LBB2_1-.Ltmp4, $3  }
0x399: {  	_ =	sdelay $0x1  }
0x39a: {  	[sflag:s24] =	ssyncset.done $0x0  }
0x39b: {  	[sflag:s24] =	ssyncadd.s32 $0xFFFF8000  }
0x39c: {  	_ =	sfence.sel $0x180000  }
0x39d: {  	[bflag:$0x0] =	sbarrier.arrive $0xFFFF  }
0x39e: {  	_ =	strace $0x90000047  }
0x39f: {  	s0 =	stileid.u32;
	[bflag:$0x2] =	sbarrier.arrive $0xFFFF  }
0x3a0: {  	p0 =	sne.s32 s0, $0x0;
	s0 =	rddreg [dreg:$0x3]  }
0x3a1: {  	s0 =	sadd.s32 @!p0 $0x100000, s0  }
0x3a2: {  	[sflag:s0] =	ssyncadd.tile.s32 @!p0 $0x1;
	_ =	shalt  }
.Lfunc_end2:
_tile_overlayer_lowered:
.L_overlay_start_2:
0x3a3: {  	(tag) =	ssettag $0x2  }
0x3a4: {  	s0 =	rddreg [dreg:$0x0];
	s2 =	stileid.u32  }
0x3a5: {  	s1 =	rddreg [dreg:$0x1];
	p0 =	sne.s32 s2, $0x0  }
0x3a6: {  	s3 =	rddreg [dreg:$0x2];
	[bflag:$0x3] =	sbarrier.arrive $0xFFFF;
	s2 =	simm.s32 @!p0 $0x1C07  }
0x3a7: {  	[timem:s3], [sflag:s2] =	dma.local @!p0 [hbm:s0], s1  }
0x3a8: {  	s0 =	simm.s32 @!p0 $0x7  }
0x3a9: {  	_ =	swait.ge @!p0 [sflag:s0], s1  }
0x3aa: {  	s1 =	ssub.s32 @!p0 $0x0, s1;
	[sflag:s0] =	ssyncset.done @!p0 $0x0  }
0x3ab: {  	[sflag:s0] =	ssyncadd.s32 @!p0 s1  }
0x3ac: {  	[bflag:$0x3] =	sbarrier.arrive $0xFFFF  }
0x3ad: {  	_ =	shalt  }

</sc_bundles>
